<compile_context>
chip_gen: v7x
topology: tpu7x:2x2x1
jax: 0.10.2.dev20260603
libtpu: 0.0.44.dev20260713+nightly
codegen_flags: <defaults>
</compile_context>

<pallas_src>
import functools

import jax
import jax.numpy as jnp
from jax import lax
from jax.experimental import pallas as pl
from jax.experimental.pallas import tpu as pltpu
from jax.experimental.pallas import tpu_sc as plsc

_NBUF = 2
_CHUNK = 512
_ROW = 128


@functools.lru_cache(maxsize=None)
def _build_gather(n_total: int, d: int):
    info = plsc.get_sparse_core_info()
    nc, ns = info.num_cores, info.num_subcores
    nw = nc * ns
    assert n_total % nw == 0
    n_per_w = n_total // nw
    chunk = _CHUNK
    nbuf = _NBUF
    nstream = chunk // _ROW
    assert n_per_w % (chunk * nbuf) == 0
    n_chunks = n_per_w // chunk
    outer = n_chunks // nbuf
    idx_rows_w = n_per_w // _ROW
    mesh = plsc.VectorSubcoreMesh(core_axis_name="c", subcore_axis_name="s")

    @functools.partial(
        pl.kernel,
        mesh=mesh,
        compiler_params=pltpu.CompilerParams(use_tc_tiling_on_sc=False),
        out_type=jax.ShapeDtypeStruct((n_total, d), jnp.float32),
        scratch_types=[
            pltpu.VMEM((idx_rows_w, _ROW), jnp.int32),
            pltpu.VMEM((nbuf, chunk, d), jnp.float32),
            pltpu.SemaphoreType.DMA((nbuf,)),
            pltpu.SemaphoreType.DMA((nbuf,)),
        ],
    )
    def k(ids_hbm, table_hbm, out_hbm, idx_v, rows_v, gsem, wsem):
        wid = lax.axis_index("s") * nc + lax.axis_index("c")
        base = wid * n_per_w

        pltpu.sync_copy(ids_hbm.at[pl.ds(wid * idx_rows_w, idx_rows_w)], idx_v)

        def start_gather(g, b):
            for s in range(nstream):
                r = g * nstream + s
                pltpu.async_copy(
                    table_hbm.at[idx_v.at[r]],
                    rows_v.at[b].at[pl.ds(s * _ROW, _ROW)], gsem.at[b])

        def wait_gather(b):
            for s in range(nstream):
                pltpu.make_async_copy(
                    table_hbm.at[idx_v.at[0]],
                    rows_v.at[b].at[pl.ds(0, _ROW)], gsem.at[b]).wait()

        def start_write(g, b):
            off = pl.multiple_of(base + g * chunk, chunk)
            pltpu.async_copy(rows_v.at[b], out_hbm.at[pl.ds(off, chunk)],
                             wsem.at[b])

        def wait_write(b):
            pltpu.make_async_copy(rows_v.at[b],
                                  out_hbm.at[pl.ds(0, chunk)],
                                  wsem.at[b]).wait()

        for b in range(nbuf):
            start_gather(b, b)

        def body(i, carry):
            for b in range(nbuf):
                g = i * nbuf + b
                wait_gather(b)
                start_write(g, b)
                wait_write(b)
                start_gather(g + nbuf, b)
            return carry

        lax.fori_loop(0, outer - 1, body, 0)

        for b in range(nbuf):
            g = (outer - 1) * nbuf + b
            wait_gather(b)
            start_write(g, b)
        for b in range(nbuf):
            wait_write(b)

    return k


def kernel(input_ids, table):
    b, s = input_ids.shape
    d = table.shape[1]
    n = b * s
    ids2d = input_ids.reshape(n // _ROW, _ROW).astype(jnp.int32)
    out = _build_gather(n, d)(ids2d, table)
    return out.reshape(b, s, d)

# --- scband reference (transcript-rebuilt; emitter-appended) ---
"""Pipeline reference for scband-vanilla-embeddings-26972394619810 (READ-ONLY COPY).

The authoritative reference and input builder live on the scoring server;
editing this copy changes nothing except your own understanding.
"""

import jax, jax.numpy as jnp
import numpy as np

NUM_EMBEDDINGS = 1000000
D_MODEL = 64
BATCH = 16384
SEQ = 50

def setup_inputs(seed: int = 0) -> dict:
    key = jax.random.key(seed)
    k1, k2 = jax.random.split(key)
    input_ids = jax.random.randint(k1, (BATCH, SEQ), 0, NUM_EMBEDDINGS, dtype=jnp.int64 if jax.config.jax_enable_x64 else jnp.int32)
    table = jax.random.normal(k2, (NUM_EMBEDDINGS, D_MODEL), dtype=jnp.float32)
    return {"input_ids": input_ids, "table": table}

def reference(input_ids, table):
    # nn.Embedding forward: gather rows of the table by index
    return jnp.take(table, input_ids, axis=0)

if __name__ == "__main__":
    import jax
    _d = setup_inputs()
    print(jax.jit(kernel)(*tuple(_d.values())))

</pallas_src>

<mosaic_0001>
#map = affine_map<(d0, d1) -> (0, 0)>
module attributes {stable_mosaic.version = 14 : i64} {
  func.func @k(%arg0: i32, %arg1: i32, %arg2: memref<6400x128xi32, #tpu.memory_space<hbm>>, %arg3: memref<1000000x64xf32, #tpu.memory_space<hbm>>, %arg4: memref<819200x64xf32, #tpu.memory_space<hbm>>, %arg5: memref<200x128xi32, #tpu.memory_space<vmem>>, %arg6: memref<2x512x64xf32, #tpu.memory_space<vmem>>, %arg7: memref<2x!tpu.dma_semaphore, #tpu.memory_space<semaphore_mem>>, %arg8: memref<2x!tpu.dma_semaphore, #tpu.memory_space<semaphore_mem>>) attributes {dimension_semantics = [#tpu.dimension_semantics<core_parallel>, #tpu.dimension_semantics<subcore_parallel>], iteration_bounds = array<i64: 2, 16>, scalar_prefetch = 0 : i64, scratch_operands = 4 : i64, tpu.core_type = #tpu.core_type<sc_vector_subcore>, window_params = [{transform_indices = #map}, {transform_indices = #map}, {transform_indices = #map}]} {
    %mul3A = arith.constant 2 : i32
    %mul3A_0 = arith.muli %arg1, %mul3A : i32
    %add3A = arith.addi %mul3A_0, %arg0 : i32
    %mul3A_1 = arith.constant 25600 : i32
    %mul3A_2 = arith.muli %add3A, %mul3A_1 : i32
    %mul3A_3 = arith.constant 200 : i32
    %mul3A_4 = arith.muli %add3A, %mul3A_3 : i32
    "tpu.region"() ({
      %run_scoped3A = tpu.sem_alloc : memref<!tpu.dma_semaphore, #tpu.memory_space<semaphore_mem>>
      %dma_start3A_369 = arith.constant 0 : i32
      %dma_start3A_370 = tpu.memref_slice %arg2[%mul3A_4, %dma_start3A_369] : memref<6400x128xi32, #tpu.memory_space<hbm>> -> memref<200x128xi32, #tpu.memory_space<hbm>>
      %dma_start3A_371 = arith.constant 0 : i32
      %dma_start3A_372 = tpu.memref_slice %arg2[%mul3A_4, %dma_start3A_371] : memref<6400x128xi32, #tpu.memory_space<hbm>> -> memref<200x128xi32, #tpu.memory_space<hbm>>
      tpu.enqueue_dma source(%dma_start3A_372 : memref<200x128xi32, #tpu.memory_space<hbm>>) target(%arg5 : memref<200x128xi32, #tpu.memory_space<vmem>>) target_semaphore(%run_scoped3A : memref<!tpu.dma_semaphore, #tpu.memory_space<semaphore_mem>>)
      %dma_wait3A_373 = arith.constant 0 : i32
      %dma_wait3A_374 = tpu.memref_slice %arg2[%mul3A_4, %dma_wait3A_373] : memref<6400x128xi32, #tpu.memory_space<hbm>> -> memref<200x128xi32, #tpu.memory_space<hbm>>
      %dma_wait3A_375 = arith.constant 0 : i32
      %dma_wait3A_376 = tpu.memref_slice %arg2[%mul3A_4, %dma_wait3A_375] : memref<6400x128xi32, #tpu.memory_space<hbm>> -> memref<200x128xi32, #tpu.memory_space<hbm>>
      tpu.wait_dma2 semaphore(%run_scoped3A : memref<!tpu.dma_semaphore, #tpu.memory_space<semaphore_mem>>) src(%dma_wait3A_376 : memref<200x128xi32, #tpu.memory_space<hbm>>) dst(%arg5 : memref<200x128xi32, #tpu.memory_space<vmem>>)
      tpu.yield
    }) : () -> ()
    %dma_start3A = arith.constant 0 : i32
    %dma_start3A_5 = arith.constant 0 : i32
    %dma_start3A_6 = arith.constant 0 : i32
    %dma_start3A_7 = arith.constant 0 : i32
    %dma_start3A_8 = arith.constant 0 : i32
    %dma_start3A_9 = tpu.memref_slice %arg6[%dma_start3A_5, %dma_start3A_7, %dma_start3A_8] : memref<2x512x64xf32, #tpu.memory_space<vmem>> -> memref<1x512x64xf32, #tpu.memory_space<vmem>>
    %dma_start3A_10 = tpu.memref_squeeze %dma_start3A_9 : memref<1x512x64xf32, #tpu.memory_space<vmem>> -> memref<512x64xf32, #tpu.memory_space<vmem>>
    %dma_start3A_11 = arith.constant 0 : i32
    %dma_start3A_12 = arith.constant 0 : i32
    %dma_start3A_13 = tpu.memref_slice %dma_start3A_10[%dma_start3A_11, %dma_start3A_12] : memref<512x64xf32, #tpu.memory_space<vmem>> -> memref<128x64xf32, #tpu.memory_space<vmem>>
    %dma_start3A_14 = arith.constant 0 : i32
    %dma_start3A_15 = tpu.memref_slice %arg5[%dma_start3A, %dma_start3A_14] : memref<200x128xi32, #tpu.memory_space<vmem>> -> memref<1x128xi32, #tpu.memory_space<vmem>>
    %dma_start3A_16 = tpu.memref_squeeze %dma_start3A_15 : memref<1x128xi32, #tpu.memory_space<vmem>> -> memref<128xi32, #tpu.memory_space<vmem>>
    %dma_start3A_17 = arith.constant 0 : i32
    %dma_start3A_18 = arith.constant 0 : i32
    %dma_start3A_19 = tpu.memref_slice %arg3[%dma_start3A_17, %dma_start3A_18] : memref<1000000x64xf32, #tpu.memory_space<hbm>> -> memref<1000000x64xf32, #tpu.memory_space<hbm>>
    %dma_start3A_20 = tpu.memref_slice %arg7[%dma_start3A_6] : memref<2x!tpu.dma_semaphore, #tpu.memory_space<semaphore_mem>> -> memref<1x!tpu.dma_semaphore, #tpu.memory_space<semaphore_mem>>
    %dma_start3A_21 = tpu.memref_squeeze %dma_start3A_20 : memref<1x!tpu.dma_semaphore, #tpu.memory_space<semaphore_mem>> -> memref<!tpu.dma_semaphore, #tpu.memory_space<semaphore_mem>>
    tpu.enqueue_indirect_dma source(%dma_start3A_19 : memref<1000000x64xf32, #tpu.memory_space<hbm>>) target(%dma_start3A_13 : memref<128x64xf32, #tpu.memory_space<vmem>>) offsets(%dma_start3A_16 : memref<128xi32, #tpu.memory_space<vmem>>) semaphore(%dma_start3A_21 : memref<!tpu.dma_semaphore, #tpu.memory_space<semaphore_mem>>)
    %dma_start3A_22 = arith.constant 1 : i32
    %dma_start3A_23 = arith.constant 0 : i32
    %dma_start3A_24 = arith.constant 0 : i32
    %dma_start3A_25 = arith.constant 0 : i32
    %dma_start3A_26 = arith.constant 0 : i32
    %dma_start3A_27 = tpu.memref_slice %arg6[%dma_start3A_23, %dma_start3A_25, %dma_start3A_26] : memref<2x512x64xf32, #tpu.memory_space<vmem>> -> memref<1x512x64xf32, #tpu.memory_space<vmem>>
    %dma_start3A_28 = tpu.memref_squeeze %dma_start3A_27 : memref<1x512x64xf32, #tpu.memory_space<vmem>> -> memref<512x64xf32, #tpu.memory_space<vmem>>
    %dma_start3A_29 = arith.constant 128 : i32
    %dma_start3A_30 = arith.constant 0 : i32
    %dma_start3A_31 = tpu.memref_slice %dma_start3A_28[%dma_start3A_29, %dma_start3A_30] : memref<512x64xf32, #tpu.memory_space<vmem>> -> memref<128x64xf32, #tpu.memory_space<vmem>>
    %dma_start3A_32 = arith.constant 0 : i32
    %dma_start3A_33 = tpu.memref_slice %arg5[%dma_start3A_22, %dma_start3A_32] : memref<200x128xi32, #tpu.memory_space<vmem>> -> memref<1x128xi32, #tpu.memory_space<vmem>>
    %dma_start3A_34 = tpu.memref_squeeze %dma_start3A_33 : memref<1x128xi32, #tpu.memory_space<vmem>> -> memref<128xi32, #tpu.memory_space<vmem>>
    %dma_start3A_35 = arith.constant 0 : i32
    %dma_start3A_36 = arith.constant 0 : i32
    %dma_start3A_37 = tpu.memref_slice %arg3[%dma_start3A_35, %dma_start3A_36] : memref<1000000x64xf32, #tpu.memory_space<hbm>> -> memref<1000000x64xf32, #tpu.memory_space<hbm>>
    %dma_start3A_38 = tpu.memref_slice %arg7[%dma_start3A_24] : memref<2x!tpu.dma_semaphore, #tpu.memory_space<semaphore_mem>> -> memref<1x!tpu.dma_semaphore, #tpu.memory_space<semaphore_mem>>
    %dma_start3A_39 = tpu.memref_squeeze %dma_start3A_38 : memref<1x!tpu.dma_semaphore, #tpu.memory_space<semaphore_mem>> -> memref<!tpu.dma_semaphore, #tpu.memory_space<semaphore_mem>>
    tpu.enqueue_indirect_dma source(%dma_start3A_37 : memref<1000000x64xf32, #tpu.memory_space<hbm>>) target(%dma_start3A_31 : memref<128x64xf32, #tpu.memory_space<vmem>>) offsets(%dma_start3A_34 : memref<128xi32, #tpu.memory_space<vmem>>) semaphore(%dma_start3A_39 : memref<!tpu.dma_semaphore, #tpu.memory_space<semaphore_mem>>)
    %dma_start3A_40 = arith.constant 2 : i32
    %dma_start3A_41 = arith.constant 0 : i32
    %dma_start3A_42 = arith.constant 0 : i32
    %dma_start3A_43 = arith.constant 0 : i32
    %dma_start3A_44 = arith.constant 0 : i32
    %dma_start3A_45 = tpu.memref_slice %arg6[%dma_start3A_41, %dma_start3A_43, %dma_start3A_44] : memref<2x512x64xf32, #tpu.memory_space<vmem>> -> memref<1x512x64xf32, #tpu.memory_space<vmem>>
    %dma_start3A_46 = tpu.memref_squeeze %dma_start3A_45 : memref<1x512x64xf32, #tpu.memory_space<vmem>> -> memref<512x64xf32, #tpu.memory_space<vmem>>
    %dma_start3A_47 = arith.constant 256 : i32
    %dma_start3A_48 = arith.constant 0 : i32
    %dma_start3A_49 = tpu.memref_slice %dma_start3A_46[%dma_start3A_47, %dma_start3A_48] : memref<512x64xf32, #tpu.memory_space<vmem>> -> memref<128x64xf32, #tpu.memory_space<vmem>>
    %dma_start3A_50 = arith.constant 0 : i32
    %dma_start3A_51 = tpu.memref_slice %arg5[%dma_start3A_40, %dma_start3A_50] : memref<200x128xi32, #tpu.memory_space<vmem>> -> memref<1x128xi32, #tpu.memory_space<vmem>>
    %dma_start3A_52 = tpu.memref_squeeze %dma_start3A_51 : memref<1x128xi32, #tpu.memory_space<vmem>> -> memref<128xi32, #tpu.memory_space<vmem>>
    %dma_start3A_53 = arith.constant 0 : i32
    %dma_start3A_54 = arith.constant 0 : i32
    %dma_start3A_55 = tpu.memref_slice %arg3[%dma_start3A_53, %dma_start3A_54] : memref<1000000x64xf32, #tpu.memory_space<hbm>> -> memref<1000000x64xf32, #tpu.memory_space<hbm>>
    %dma_start3A_56 = tpu.memref_slice %arg7[%dma_start3A_42] : memref<2x!tpu.dma_semaphore, #tpu.memory_space<semaphore_mem>> -> memref<1x!tpu.dma_semaphore, #tpu.memory_space<semaphore_mem>>
    %dma_start3A_57 = tpu.memref_squeeze %dma_start3A_56 : memref<1x!tpu.dma_semaphore, #tpu.memory_space<semaphore_mem>> -> memref<!tpu.dma_semaphore, #tpu.memory_space<semaphore_mem>>
    tpu.enqueue_indirect_dma source(%dma_start3A_55 : memref<1000000x64xf32, #tpu.memory_space<hbm>>) target(%dma_start3A_49 : memref<128x64xf32, #tpu.memory_space<vmem>>) offsets(%dma_start3A_52 : memref<128xi32, #tpu.memory_space<vmem>>) semaphore(%dma_start3A_57 : memref<!tpu.dma_semaphore, #tpu.memory_space<semaphore_mem>>)
    %dma_start3A_58 = arith.constant 3 : i32
    %dma_start3A_59 = arith.constant 0 : i32
    %dma_start3A_60 = arith.constant 0 : i32
    %dma_start3A_61 = arith.constant 0 : i32
    %dma_start3A_62 = arith.constant 0 : i32
    %dma_start3A_63 = tpu.memref_slice %arg6[%dma_start3A_59, %dma_start3A_61, %dma_start3A_62] : memref<2x512x64xf32, #tpu.memory_space<vmem>> -> memref<1x512x64xf32, #tpu.memory_space<vmem>>
    %dma_start3A_64 = tpu.memref_squeeze %dma_start3A_63 : memref<1x512x64xf32, #tpu.memory_space<vmem>> -> memref<512x64xf32, #tpu.memory_space<vmem>>
    %dma_start3A_65 = arith.constant 384 : i32
    %dma_start3A_66 = arith.constant 0 : i32
    %dma_start3A_67 = tpu.memref_slice %dma_start3A_64[%dma_start3A_65, %dma_start3A_66] : memref<512x64xf32, #tpu.memory_space<vmem>> -> memref<128x64xf32, #tpu.memory_space<vmem>>
    %dma_start3A_68 = arith.constant 0 : i32
    %dma_start3A_69 = tpu.memref_slice %arg5[%dma_start3A_58, %dma_start3A_68] : memref<200x128xi32, #tpu.memory_space<vmem>> -> memref<1x128xi32, #tpu.memory_space<vmem>>
    %dma_start3A_70 = tpu.memref_squeeze %dma_start3A_69 : memref<1x128xi32, #tpu.memory_space<vmem>> -> memref<128xi32, #tpu.memory_space<vmem>>
    %dma_start3A_71 = arith.constant 0 : i32
    %dma_start3A_72 = arith.constant 0 : i32
    %dma_start3A_73 = tpu.memref_slice %arg3[%dma_start3A_71, %dma_start3A_72] : memref<1000000x64xf32, #tpu.memory_space<hbm>> -> memref<1000000x64xf32, #tpu.memory_space<hbm>>
    %dma_start3A_74 = tpu.memref_slice %arg7[%dma_start3A_60] : memref<2x!tpu.dma_semaphore, #tpu.memory_space<semaphore_mem>> -> memref<1x!tpu.dma_semaphore, #tpu.memory_space<semaphore_mem>>
    %dma_start3A_75 = tpu.memref_squeeze %dma_start3A_74 : memref<1x!tpu.dma_semaphore, #tpu.memory_space<semaphore_mem>> -> memref<!tpu.dma_semaphore, #tpu.memory_space<semaphore_mem>>
    tpu.enqueue_indirect_dma source(%dma_start3A_73 : memref<1000000x64xf32, #tpu.memory_space<hbm>>) target(%dma_start3A_67 : memref<128x64xf32, #tpu.memory_space<vmem>>) offsets(%dma_start3A_70 : memref<128xi32, #tpu.memory_space<vmem>>) semaphore(%dma_start3A_75 : memref<!tpu.dma_semaphore, #tpu.memory_space<semaphore_mem>>)
    %dma_start3A_76 = arith.constant 4 : i32
    %dma_start3A_77 = arith.constant 1 : i32
    %dma_start3A_78 = arith.constant 1 : i32
    %dma_start3A_79 = arith.constant 0 : i32
    %dma_start3A_80 = arith.constant 0 : i32
    %dma_start3A_81 = tpu.memref_slice %arg6[%dma_start3A_77, %dma_start3A_79, %dma_start3A_80] : memref<2x512x64xf32, #tpu.memory_space<vmem>> -> memref<1x512x64xf32, #tpu.memory_space<vmem>>
    %dma_start3A_82 = tpu.memref_squeeze %dma_start3A_81 : memref<1x512x64xf32, #tpu.memory_space<vmem>> -> memref<512x64xf32, #tpu.memory_space<vmem>>
    %dma_start3A_83 = arith.constant 0 : i32
    %dma_start3A_84 = arith.constant 0 : i32
    %dma_start3A_85 = tpu.memref_slice %dma_start3A_82[%dma_start3A_83, %dma_start3A_84] : memref<512x64xf32, #tpu.memory_space<vmem>> -> memref<128x64xf32, #tpu.memory_space<vmem>>
    %dma_start3A_86 = arith.constant 0 : i32
    %dma_start3A_87 = tpu.memref_slice %arg5[%dma_start3A_76, %dma_start3A_86] : memref<200x128xi32, #tpu.memory_space<vmem>> -> memref<1x128xi32, #tpu.memory_space<vmem>>
    %dma_start3A_88 = tpu.memref_squeeze %dma_start3A_87 : memref<1x128xi32, #tpu.memory_space<vmem>> -> memref<128xi32, #tpu.memory_space<vmem>>
    %dma_start3A_89 = arith.constant 0 : i32
    %dma_start3A_90 = arith.constant 0 : i32
    %dma_start3A_91 = tpu.memref_slice %arg3[%dma_start3A_89, %dma_start3A_90] : memref<1000000x64xf32, #tpu.memory_space<hbm>> -> memref<1000000x64xf32, #tpu.memory_space<hbm>>
    %dma_start3A_92 = tpu.memref_slice %arg7[%dma_start3A_78] : memref<2x!tpu.dma_semaphore, #tpu.memory_space<semaphore_mem>> -> memref<1x!tpu.dma_semaphore, #tpu.memory_space<semaphore_mem>>
    %dma_start3A_93 = tpu.memref_squeeze %dma_start3A_92 : memref<1x!tpu.dma_semaphore, #tpu.memory_space<semaphore_mem>> -> memref<!tpu.dma_semaphore, #tpu.memory_space<semaphore_mem>>
    tpu.enqueue_indirect_dma source(%dma_start3A_91 : memref<1000000x64xf32, #tpu.memory_space<hbm>>) target(%dma_start3A_85 : memref<128x64xf32, #tpu.memory_space<vmem>>) offsets(%dma_start3A_88 : memref<128xi32, #tpu.memory_space<vmem>>) semaphore(%dma_start3A_93 : memref<!tpu.dma_semaphore, #tpu.memory_space<semaphore_mem>>)
    %dma_start3A_94 = arith.constant 5 : i32
    %dma_start3A_95 = arith.constant 1 : i32
    %dma_start3A_96 = arith.constant 1 : i32
    %dma_start3A_97 = arith.constant 0 : i32
    %dma_start3A_98 = arith.constant 0 : i32
    %dma_start3A_99 = tpu.memref_slice %arg6[%dma_start3A_95, %dma_start3A_97, %dma_start3A_98] : memref<2x512x64xf32, #tpu.memory_space<vmem>> -> memref<1x512x64xf32, #tpu.memory_space<vmem>>
    %dma_start3A_100 = tpu.memref_squeeze %dma_start3A_99 : memref<1x512x64xf32, #tpu.memory_space<vmem>> -> memref<512x64xf32, #tpu.memory_space<vmem>>
    %dma_start3A_101 = arith.constant 128 : i32
    %dma_start3A_102 = arith.constant 0 : i32
    %dma_start3A_103 = tpu.memref_slice %dma_start3A_100[%dma_start3A_101, %dma_start3A_102] : memref<512x64xf32, #tpu.memory_space<vmem>> -> memref<128x64xf32, #tpu.memory_space<vmem>>
    %dma_start3A_104 = arith.constant 0 : i32
    %dma_start3A_105 = tpu.memref_slice %arg5[%dma_start3A_94, %dma_start3A_104] : memref<200x128xi32, #tpu.memory_space<vmem>> -> memref<1x128xi32, #tpu.memory_space<vmem>>
    %dma_start3A_106 = tpu.memref_squeeze %dma_start3A_105 : memref<1x128xi32, #tpu.memory_space<vmem>> -> memref<128xi32, #tpu.memory_space<vmem>>
    %dma_start3A_107 = arith.constant 0 : i32
    %dma_start3A_108 = arith.constant 0 : i32
    %dma_start3A_109 = tpu.memref_slice %arg3[%dma_start3A_107, %dma_start3A_108] : memref<1000000x64xf32, #tpu.memory_space<hbm>> -> memref<1000000x64xf32, #tpu.memory_space<hbm>>
    %dma_start3A_110 = tpu.memref_slice %arg7[%dma_start3A_96] : memref<2x!tpu.dma_semaphore, #tpu.memory_space<semaphore_mem>> -> memref<1x!tpu.dma_semaphore, #tpu.memory_space<semaphore_mem>>
    %dma_start3A_111 = tpu.memref_squeeze %dma_start3A_110 : memref<1x!tpu.dma_semaphore, #tpu.memory_space<semaphore_mem>> -> memref<!tpu.dma_semaphore, #tpu.memory_space<semaphore_mem>>
    tpu.enqueue_indirect_dma source(%dma_start3A_109 : memref<1000000x64xf32, #tpu.memory_space<hbm>>) target(%dma_start3A_103 : memref<128x64xf32, #tpu.memory_space<vmem>>) offsets(%dma_start3A_106 : memref<128xi32, #tpu.memory_space<vmem>>) semaphore(%dma_start3A_111 : memref<!tpu.dma_semaphore, #tpu.memory_space<semaphore_mem>>)
    %dma_start3A_112 = arith.constant 6 : i32
    %dma_start3A_113 = arith.constant 1 : i32
    %dma_start3A_114 = arith.constant 1 : i32
    %dma_start3A_115 = arith.constant 0 : i32
    %dma_start3A_116 = arith.constant 0 : i32
    %dma_start3A_117 = tpu.memref_slice %arg6[%dma_start3A_113, %dma_start3A_115, %dma_start3A_116] : memref<2x512x64xf32, #tpu.memory_space<vmem>> -> memref<1x512x64xf32, #tpu.memory_space<vmem>>
    %dma_start3A_118 = tpu.memref_squeeze %dma_start3A_117 : memref<1x512x64xf32, #tpu.memory_space<vmem>> -> memref<512x64xf32, #tpu.memory_space<vmem>>
    %dma_start3A_119 = arith.constant 256 : i32
    %dma_start3A_120 = arith.constant 0 : i32
    %dma_start3A_121 = tpu.memref_slice %dma_start3A_118[%dma_start3A_119, %dma_start3A_120] : memref<512x64xf32, #tpu.memory_space<vmem>> -> memref<128x64xf32, #tpu.memory_space<vmem>>
    %dma_start3A_122 = arith.constant 0 : i32
    %dma_start3A_123 = tpu.memref_slice %arg5[%dma_start3A_112, %dma_start3A_122] : memref<200x128xi32, #tpu.memory_space<vmem>> -> memref<1x128xi32, #tpu.memory_space<vmem>>
    %dma_start3A_124 = tpu.memref_squeeze %dma_start3A_123 : memref<1x128xi32, #tpu.memory_space<vmem>> -> memref<128xi32, #tpu.memory_space<vmem>>
    %dma_start3A_125 = arith.constant 0 : i32
    %dma_start3A_126 = arith.constant 0 : i32
    %dma_start3A_127 = tpu.memref_slice %arg3[%dma_start3A_125, %dma_start3A_126] : memref<1000000x64xf32, #tpu.memory_space<hbm>> -> memref<1000000x64xf32, #tpu.memory_space<hbm>>
    %dma_start3A_128 = tpu.memref_slice %arg7[%dma_start3A_114] : memref<2x!tpu.dma_semaphore, #tpu.memory_space<semaphore_mem>> -> memref<1x!tpu.dma_semaphore, #tpu.memory_space<semaphore_mem>>
    %dma_start3A_129 = tpu.memref_squeeze %dma_start3A_128 : memref<1x!tpu.dma_semaphore, #tpu.memory_space<semaphore_mem>> -> memref<!tpu.dma_semaphore, #tpu.memory_space<semaphore_mem>>
    tpu.enqueue_indirect_dma source(%dma_start3A_127 : memref<1000000x64xf32, #tpu.memory_space<hbm>>) target(%dma_start3A_121 : memref<128x64xf32, #tpu.memory_space<vmem>>) offsets(%dma_start3A_124 : memref<128xi32, #tpu.memory_space<vmem>>) semaphore(%dma_start3A_129 : memref<!tpu.dma_semaphore, #tpu.memory_space<semaphore_mem>>)
    %dma_start3A_130 = arith.constant 7 : i32
    %dma_start3A_131 = arith.constant 1 : i32
    %dma_start3A_132 = arith.constant 1 : i32
    %dma_start3A_133 = arith.constant 0 : i32
    %dma_start3A_134 = arith.constant 0 : i32
    %dma_start3A_135 = tpu.memref_slice %arg6[%dma_start3A_131, %dma_start3A_133, %dma_start3A_134] : memref<2x512x64xf32, #tpu.memory_space<vmem>> -> memref<1x512x64xf32, #tpu.memory_space<vmem>>
    %dma_start3A_136 = tpu.memref_squeeze %dma_start3A_135 : memref<1x512x64xf32, #tpu.memory_space<vmem>> -> memref<512x64xf32, #tpu.memory_space<vmem>>
    %dma_start3A_137 = arith.constant 384 : i32
    %dma_start3A_138 = arith.constant 0 : i32
    %dma_start3A_139 = tpu.memref_slice %dma_start3A_136[%dma_start3A_137, %dma_start3A_138] : memref<512x64xf32, #tpu.memory_space<vmem>> -> memref<128x64xf32, #tpu.memory_space<vmem>>
    %dma_start3A_140 = arith.constant 0 : i32
    %dma_start3A_141 = tpu.memref_slice %arg5[%dma_start3A_130, %dma_start3A_140] : memref<200x128xi32, #tpu.memory_space<vmem>> -> memref<1x128xi32, #tpu.memory_space<vmem>>
    %dma_start3A_142 = tpu.memref_squeeze %dma_start3A_141 : memref<1x128xi32, #tpu.memory_space<vmem>> -> memref<128xi32, #tpu.memory_space<vmem>>
    %dma_start3A_143 = arith.constant 0 : i32
    %dma_start3A_144 = arith.constant 0 : i32
    %dma_start3A_145 = tpu.memref_slice %arg3[%dma_start3A_143, %dma_start3A_144] : memref<1000000x64xf32, #tpu.memory_space<hbm>> -> memref<1000000x64xf32, #tpu.memory_space<hbm>>
    %dma_start3A_146 = tpu.memref_slice %arg7[%dma_start3A_132] : memref<2x!tpu.dma_semaphore, #tpu.memory_space<semaphore_mem>> -> memref<1x!tpu.dma_semaphore, #tpu.memory_space<semaphore_mem>>
    %dma_start3A_147 = tpu.memref_squeeze %dma_start3A_146 : memref<1x!tpu.dma_semaphore, #tpu.memory_space<semaphore_mem>> -> memref<!tpu.dma_semaphore, #tpu.memory_space<semaphore_mem>>
    tpu.enqueue_indirect_dma source(%dma_start3A_145 : memref<1000000x64xf32, #tpu.memory_space<hbm>>) target(%dma_start3A_139 : memref<128x64xf32, #tpu.memory_space<vmem>>) offsets(%dma_start3A_142 : memref<128xi32, #tpu.memory_space<vmem>>) semaphore(%dma_start3A_147 : memref<!tpu.dma_semaphore, #tpu.memory_space<semaphore_mem>>)
    %scan3A = arith.constant 0 : i32
    %scan3A_148 = arith.constant 0 : i32
    %scan3A_149 = arith.constant 24 : i32
    %scan3A_150 = arith.addi %scan3A_148, %scan3A_149 : i32
    %scan3A_151 = arith.constant 1 : i32
    scf.for %scan3A_369 = %scan3A_148 to %scan3A_150 step %scan3A_151  : i32 {
      %mul3A_370 = arith.constant 2 : i32
      %mul3A_371 = arith.muli %scan3A_369, %mul3A_370 : i32
      %add3A_372 = arith.constant 0 : i32
      %add3A_373 = arith.addi %mul3A_371, %add3A_372 : i32
      %dma_wait3A_374 = arith.constant 0 : i32
      %dma_wait3A_375 = arith.constant 0 : i32
      %dma_wait3A_376 = arith.constant 0 : i32
      %dma_wait3A_377 = arith.constant 0 : i32
      %dma_wait3A_378 = arith.constant 0 : i32
      %dma_wait3A_379 = tpu.memref_slice %arg6[%dma_wait3A_375, %dma_wait3A_377, %dma_wait3A_378] : memref<2x512x64xf32, #tpu.memory_space<vmem>> -> memref<1x512x64xf32, #tpu.memory_space<vmem>>
      %dma_wait3A_380 = tpu.memref_squeeze %dma_wait3A_379 : memref<1x512x64xf32, #tpu.memory_space<vmem>> -> memref<512x64xf32, #tpu.memory_space<vmem>>
      %dma_wait3A_381 = arith.constant 0 : i32
      %dma_wait3A_382 = arith.constant 0 : i32
      %dma_wait3A_383 = tpu.memref_slice %dma_wait3A_380[%dma_wait3A_381, %dma_wait3A_382] : memref<512x64xf32, #tpu.memory_space<vmem>> -> memref<128x64xf32, #tpu.memory_space<vmem>>
      %dma_wait3A_384 = arith.constant 0 : i32
      %dma_wait3A_385 = tpu.memref_slice %arg5[%dma_wait3A_374, %dma_wait3A_384] : memref<200x128xi32, #tpu.memory_space<vmem>> -> memref<1x128xi32, #tpu.memory_space<vmem>>
      %dma_wait3A_386 = tpu.memref_squeeze %dma_wait3A_385 : memref<1x128xi32, #tpu.memory_space<vmem>> -> memref<128xi32, #tpu.memory_space<vmem>>
      %dma_wait3A_387 = arith.constant 0 : i32
      %dma_wait3A_388 = arith.constant 0 : i32
      %dma_wait3A_389 = tpu.memref_slice %arg3[%dma_wait3A_387, %dma_wait3A_388] : memref<1000000x64xf32, #tpu.memory_space<hbm>> -> memref<1000000x64xf32, #tpu.memory_space<hbm>>
      %dma_wait3A_390 = tpu.memref_slice %arg7[%dma_wait3A_376] : memref<2x!tpu.dma_semaphore, #tpu.memory_space<semaphore_mem>> -> memref<1x!tpu.dma_semaphore, #tpu.memory_space<semaphore_mem>>
      %dma_wait3A_391 = tpu.memref_squeeze %dma_wait3A_390 : memref<1x!tpu.dma_semaphore, #tpu.memory_space<semaphore_mem>> -> memref<!tpu.dma_semaphore, #tpu.memory_space<semaphore_mem>>
      tpu.wait_indirect_dma semaphore(%dma_wait3A_391 : memref<!tpu.dma_semaphore, #tpu.memory_space<semaphore_mem>>) src(%dma_wait3A_389 : memref<1000000x64xf32, #tpu.memory_space<hbm>>) dst(%dma_wait3A_383 : memref<128x64xf32, #tpu.memory_space<vmem>>)
      %dma_wait3A_392 = arith.constant 0 : i32
      %dma_wait3A_393 = arith.constant 0 : i32
      %dma_wait3A_394 = arith.constant 0 : i32
      %dma_wait3A_395 = arith.constant 0 : i32
      %dma_wait3A_396 = arith.constant 0 : i32
      %dma_wait3A_397 = tpu.memref_slice %arg6[%dma_wait3A_393, %dma_wait3A_395, %dma_wait3A_396] : memref<2x512x64xf32, #tpu.memory_space<vmem>> -> memref<1x512x64xf32, #tpu.memory_space<vmem>>
      %dma_wait3A_398 = tpu.memref_squeeze %dma_wait3A_397 : memref<1x512x64xf32, #tpu.memory_space<vmem>> -> memref<512x64xf32, #tpu.memory_space<vmem>>
      %dma_wait3A_399 = arith.constant 0 : i32
      %dma_wait3A_400 = arith.constant 0 : i32
      %dma_wait3A_401 = tpu.memref_slice %dma_wait3A_398[%dma_wait3A_399, %dma_wait3A_400] : memref<512x64xf32, #tpu.memory_space<vmem>> -> memref<128x64xf32, #tpu.memory_space<vmem>>
      %dma_wait3A_402 = arith.constant 0 : i32
      %dma_wait3A_403 = tpu.memref_slice %arg5[%dma_wait3A_392, %dma_wait3A_402] : memref<200x128xi32, #tpu.memory_space<vmem>> -> memref<1x128xi32, #tpu.memory_space<vmem>>
      %dma_wait3A_404 = tpu.memref_squeeze %dma_wait3A_403 : memref<1x128xi32, #tpu.memory_space<vmem>> -> memref<128xi32, #tpu.memory_space<vmem>>
      %dma_wait3A_405 = arith.constant 0 : i32
      %dma_wait3A_406 = arith.constant 0 : i32
      %dma_wait3A_407 = tpu.memref_slice %arg3[%dma_wait3A_405, %dma_wait3A_406] : memref<1000000x64xf32, #tpu.memory_space<hbm>> -> memref<1000000x64xf32, #tpu.memory_space<hbm>>
      %dma_wait3A_408 = tpu.memref_slice %arg7[%dma_wait3A_394] : memref<2x!tpu.dma_semaphore, #tpu.memory_space<semaphore_mem>> -> memref<1x!tpu.dma_semaphore, #tpu.memory_space<semaphore_mem>>
      %dma_wait3A_409 = tpu.memref_squeeze %dma_wait3A_408 : memref<1x!tpu.dma_semaphore, #tpu.memory_space<semaphore_mem>> -> memref<!tpu.dma_semaphore, #tpu.memory_space<semaphore_mem>>
      tpu.wait_indirect_dma semaphore(%dma_wait3A_409 : memref<!tpu.dma_semaphore, #tpu.memory_space<semaphore_mem>>) src(%dma_wait3A_407 : memref<1000000x64xf32, #tpu.memory_space<hbm>>) dst(%dma_wait3A_401 : memref<128x64xf32, #tpu.memory_space<vmem>>)
      %dma_wait3A_410 = arith.constant 0 : i32
      %dma_wait3A_411 = arith.constant 0 : i32
      %dma_wait3A_412 = arith.constant 0 : i32
      %dma_wait3A_413 = arith.constant 0 : i32
      %dma_wait3A_414 = arith.constant 0 : i32
      %dma_wait3A_415 = tpu.memref_slice %arg6[%dma_wait3A_411, %dma_wait3A_413, %dma_wait3A_414] : memref<2x512x64xf32, #tpu.memory_space<vmem>> -> memref<1x512x64xf32, #tpu.memory_space<vmem>>
      %dma_wait3A_416 = tpu.memref_squeeze %dma_wait3A_415 : memref<1x512x64xf32, #tpu.memory_space<vmem>> -> memref<512x64xf32, #tpu.memory_space<vmem>>
      %dma_wait3A_417 = arith.constant 0 : i32
      %dma_wait3A_418 = arith.constant 0 : i32
      %dma_wait3A_419 = tpu.memref_slice %dma_wait3A_416[%dma_wait3A_417, %dma_wait3A_418] : memref<512x64xf32, #tpu.memory_space<vmem>> -> memref<128x64xf32, #tpu.memory_space<vmem>>
      %dma_wait3A_420 = arith.constant 0 : i32
      %dma_wait3A_421 = tpu.memref_slice %arg5[%dma_wait3A_410, %dma_wait3A_420] : memref<200x128xi32, #tpu.memory_space<vmem>> -> memref<1x128xi32, #tpu.memory_space<vmem>>
      %dma_wait3A_422 = tpu.memref_squeeze %dma_wait3A_421 : memref<1x128xi32, #tpu.memory_space<vmem>> -> memref<128xi32, #tpu.memory_space<vmem>>
      %dma_wait3A_423 = arith.constant 0 : i32
      %dma_wait3A_424 = arith.constant 0 : i32
      %dma_wait3A_425 = tpu.memref_slice %arg3[%dma_wait3A_423, %dma_wait3A_424] : memref<1000000x64xf32, #tpu.memory_space<hbm>> -> memref<1000000x64xf32, #tpu.memory_space<hbm>>
      %dma_wait3A_426 = tpu.memref_slice %arg7[%dma_wait3A_412] : memref<2x!tpu.dma_semaphore, #tpu.memory_space<semaphore_mem>> -> memref<1x!tpu.dma_semaphore, #tpu.memory_space<semaphore_mem>>
      %dma_wait3A_427 = tpu.memref_squeeze %dma_wait3A_426 : memref<1x!tpu.dma_semaphore, #tpu.memory_space<semaphore_mem>> -> memref<!tpu.dma_semaphore, #tpu.memory_space<semaphore_mem>>
      tpu.wait_indirect_dma semaphore(%dma_wait3A_427 : memref<!tpu.dma_semaphore, #tpu.memory_space<semaphore_mem>>) src(%dma_wait3A_425 : memref<1000000x64xf32, #tpu.memory_space<hbm>>) dst(%dma_wait3A_419 : memref<128x64xf32, #tpu.memory_space<vmem>>)
      %dma_wait3A_428 = arith.constant 0 : i32
      %dma_wait3A_429 = arith.constant 0 : i32
      %dma_wait3A_430 = arith.constant 0 : i32
      %dma_wait3A_431 = arith.constant 0 : i32
      %dma_wait3A_432 = arith.constant 0 : i32
      %dma_wait3A_433 = tpu.memref_slice %arg6[%dma_wait3A_429, %dma_wait3A_431, %dma_wait3A_432] : memref<2x512x64xf32, #tpu.memory_space<vmem>> -> memref<1x512x64xf32, #tpu.memory_space<vmem>>
      %dma_wait3A_434 = tpu.memref_squeeze %dma_wait3A_433 : memref<1x512x64xf32, #tpu.memory_space<vmem>> -> memref<512x64xf32, #tpu.memory_space<vmem>>
      %dma_wait3A_435 = arith.constant 0 : i32
      %dma_wait3A_436 = arith.constant 0 : i32
      %dma_wait3A_437 = tpu.memref_slice %dma_wait3A_434[%dma_wait3A_435, %dma_wait3A_436] : memref<512x64xf32, #tpu.memory_space<vmem>> -> memref<128x64xf32, #tpu.memory_space<vmem>>
      %dma_wait3A_438 = arith.constant 0 : i32
      %dma_wait3A_439 = tpu.memref_slice %arg5[%dma_wait3A_428, %dma_wait3A_438] : memref<200x128xi32, #tpu.memory_space<vmem>> -> memref<1x128xi32, #tpu.memory_space<vmem>>
      %dma_wait3A_440 = tpu.memref_squeeze %dma_wait3A_439 : memref<1x128xi32, #tpu.memory_space<vmem>> -> memref<128xi32, #tpu.memory_space<vmem>>
      %dma_wait3A_441 = arith.constant 0 : i32
      %dma_wait3A_442 = arith.constant 0 : i32
      %dma_wait3A_443 = tpu.memref_slice %arg3[%dma_wait3A_441, %dma_wait3A_442] : memref<1000000x64xf32, #tpu.memory_space<hbm>> -> memref<1000000x64xf32, #tpu.memory_space<hbm>>
      %dma_wait3A_444 = tpu.memref_slice %arg7[%dma_wait3A_430] : memref<2x!tpu.dma_semaphore, #tpu.memory_space<semaphore_mem>> -> memref<1x!tpu.dma_semaphore, #tpu.memory_space<semaphore_mem>>
      %dma_wait3A_445 = tpu.memref_squeeze %dma_wait3A_444 : memref<1x!tpu.dma_semaphore, #tpu.memory_space<semaphore_mem>> -> memref<!tpu.dma_semaphore, #tpu.memory_space<semaphore_mem>>
      tpu.wait_indirect_dma semaphore(%dma_wait3A_445 : memref<!tpu.dma_semaphore, #tpu.memory_space<semaphore_mem>>) src(%dma_wait3A_443 : memref<1000000x64xf32, #tpu.memory_space<hbm>>) dst(%dma_wait3A_437 : memref<128x64xf32, #tpu.memory_space<vmem>>)
      %mul3A_446 = arith.constant 512 : i32
      %mul3A_447 = arith.muli %add3A_373, %mul3A_446 : i32
      %add3A_448 = arith.addi %mul3A_2, %mul3A_447 : i32
      %multiple_of3A_449 = tpu.assume_multiple %add3A_448, 512 : i32
      %dma_start3A_450 = arith.constant 0 : i32
      %dma_start3A_451 = arith.constant 0 : i32
      %dma_start3A_452 = arith.constant 0 : i32
      %dma_start3A_453 = arith.constant 0 : i32
      %dma_start3A_454 = tpu.memref_slice %arg6[%dma_start3A_450, %dma_start3A_452, %dma_start3A_453] : memref<2x512x64xf32, #tpu.memory_space<vmem>> -> memref<1x512x64xf32, #tpu.memory_space<vmem>>
      %dma_start3A_455 = tpu.memref_squeeze %dma_start3A_454 : memref<1x512x64xf32, #tpu.memory_space<vmem>> -> memref<512x64xf32, #tpu.memory_space<vmem>>
      %dma_start3A_456 = arith.constant 0 : i32
      %dma_start3A_457 = tpu.memref_slice %arg4[%multiple_of3A_449, %dma_start3A_456] : memref<819200x64xf32, #tpu.memory_space<hbm>> -> memref<512x64xf32, #tpu.memory_space<hbm>>
      %dma_start3A_458 = tpu.memref_slice %arg8[%dma_start3A_451] : memref<2x!tpu.dma_semaphore, #tpu.memory_space<semaphore_mem>> -> memref<1x!tpu.dma_semaphore, #tpu.memory_space<semaphore_mem>>
      %dma_start3A_459 = tpu.memref_squeeze %dma_start3A_458 : memref<1x!tpu.dma_semaphore, #tpu.memory_space<semaphore_mem>> -> memref<!tpu.dma_semaphore, #tpu.memory_space<semaphore_mem>>
      %dma_start3A_460 = arith.constant 0 : i32
      %dma_start3A_461 = tpu.memref_slice %arg4[%multiple_of3A_449, %dma_start3A_460] : memref<819200x64xf32, #tpu.memory_space<hbm>> -> memref<512x64xf32, #tpu.memory_space<hbm>>
      %dma_start3A_462 = arith.constant 0 : i32
      %dma_start3A_463 = arith.constant 0 : i32
      %dma_start3A_464 = tpu.memref_slice %arg6[%dma_start3A_450, %dma_start3A_462, %dma_start3A_463] : memref<2x512x64xf32, #tpu.memory_space<vmem>> -> memref<1x512x64xf32, #tpu.memory_space<vmem>>
      %dma_start3A_465 = tpu.memref_squeeze %dma_start3A_464 : memref<1x512x64xf32, #tpu.memory_space<vmem>> -> memref<512x64xf32, #tpu.memory_space<vmem>>
      tpu.enqueue_dma source(%dma_start3A_465 : memref<512x64xf32, #tpu.memory_space<vmem>>) target(%dma_start3A_461 : memref<512x64xf32, #tpu.memory_space<hbm>>) target_semaphore(%dma_start3A_459 : memref<!tpu.dma_semaphore, #tpu.memory_space<semaphore_mem>>)
      %dma_wait3A_466 = arith.constant 0 : i32
      %dma_wait3A_467 = arith.constant 0 : i32
      %dma_wait3A_468 = arith.constant 0 : i32
      %dma_wait3A_469 = arith.constant 0 : i32
      %dma_wait3A_470 = tpu.memref_slice %arg6[%dma_wait3A_466, %dma_wait3A_468, %dma_wait3A_469] : memref<2x512x64xf32, #tpu.memory_space<vmem>> -> memref<1x512x64xf32, #tpu.memory_space<vmem>>
      %dma_wait3A_471 = tpu.memref_squeeze %dma_wait3A_470 : memref<1x512x64xf32, #tpu.memory_space<vmem>> -> memref<512x64xf32, #tpu.memory_space<vmem>>
      %dma_wait3A_472 = arith.constant 0 : i32
      %dma_wait3A_473 = arith.constant 0 : i32
      %dma_wait3A_474 = tpu.memref_slice %arg4[%dma_wait3A_472, %dma_wait3A_473] : memref<819200x64xf32, #tpu.memory_space<hbm>> -> memref<512x64xf32, #tpu.memory_space<hbm>>
      %dma_wait3A_475 = tpu.memref_slice %arg8[%dma_wait3A_467] : memref<2x!tpu.dma_semaphore, #tpu.memory_space<semaphore_mem>> -> memref<1x!tpu.dma_semaphore, #tpu.memory_space<semaphore_mem>>
      %dma_wait3A_476 = tpu.memref_squeeze %dma_wait3A_475 : memref<1x!tpu.dma_semaphore, #tpu.memory_space<semaphore_mem>> -> memref<!tpu.dma_semaphore, #tpu.memory_space<semaphore_mem>>
      %dma_wait3A_477 = arith.constant 0 : i32
      %dma_wait3A_478 = arith.constant 0 : i32
      %dma_wait3A_479 = tpu.memref_slice %arg4[%dma_wait3A_477, %dma_wait3A_478] : memref<819200x64xf32, #tpu.memory_space<hbm>> -> memref<512x64xf32, #tpu.memory_space<hbm>>
      %dma_wait3A_480 = arith.constant 0 : i32
      %dma_wait3A_481 = arith.constant 0 : i32
      %dma_wait3A_482 = tpu.memref_slice %arg6[%dma_wait3A_466, %dma_wait3A_480, %dma_wait3A_481] : memref<2x512x64xf32, #tpu.memory_space<vmem>> -> memref<1x512x64xf32, #tpu.memory_space<vmem>>
      %dma_wait3A_483 = tpu.memref_squeeze %dma_wait3A_482 : memref<1x512x64xf32, #tpu.memory_space<vmem>> -> memref<512x64xf32, #tpu.memory_space<vmem>>
      tpu.wait_dma2 semaphore(%dma_wait3A_476 : memref<!tpu.dma_semaphore, #tpu.memory_space<semaphore_mem>>) src(%dma_wait3A_483 : memref<512x64xf32, #tpu.memory_space<vmem>>) dst(%dma_wait3A_479 : memref<512x64xf32, #tpu.memory_space<hbm>>)
      %add3A_484 = arith.constant 2 : i32
      %add3A_485 = arith.addi %add3A_373, %add3A_484 : i32
      %mul3A_486 = arith.constant 4 : i32
      %mul3A_487 = arith.muli %add3A_485, %mul3A_486 : i32
      %add3A_488 = arith.constant 0 : i32
      %add3A_489 = arith.addi %mul3A_487, %add3A_488 : i32
      %dma_start3A_490 = arith.constant 0 : i32
      %dma_start3A_491 = arith.constant 0 : i32
      %dma_start3A_492 = arith.constant 0 : i32
      %dma_start3A_493 = arith.constant 0 : i32
      %dma_start3A_494 = tpu.memref_slice %arg6[%dma_start3A_490, %dma_start3A_492, %dma_start3A_493] : memref<2x512x64xf32, #tpu.memory_space<vmem>> -> memref<1x512x64xf32, #tpu.memory_space<vmem>>
      %dma_start3A_495 = tpu.memref_squeeze %dma_start3A_494 : memref<1x512x64xf32, #tpu.memory_space<vmem>> -> memref<512x64xf32, #tpu.memory_space<vmem>>
      %dma_start3A_496 = arith.constant 0 : i32
      %dma_start3A_497 = arith.constant 0 : i32
      %dma_start3A_498 = tpu.memref_slice %dma_start3A_495[%dma_start3A_496, %dma_start3A_497] : memref<512x64xf32, #tpu.memory_space<vmem>> -> memref<128x64xf32, #tpu.memory_space<vmem>>
      %dma_start3A_499 = arith.constant 0 : i32
      %dma_start3A_500 = tpu.memref_slice %arg5[%add3A_489, %dma_start3A_499] : memref<200x128xi32, #tpu.memory_space<vmem>> -> memref<1x128xi32, #tpu.memory_space<vmem>>
      %dma_start3A_501 = tpu.memref_squeeze %dma_start3A_500 : memref<1x128xi32, #tpu.memory_space<vmem>> -> memref<128xi32, #tpu.memory_space<vmem>>
      %dma_start3A_502 = arith.constant 0 : i32
      %dma_start3A_503 = arith.constant 0 : i32
      %dma_start3A_504 = tpu.memref_slice %arg3[%dma_start3A_502, %dma_start3A_503] : memref<1000000x64xf32, #tpu.memory_space<hbm>> -> memref<1000000x64xf32, #tpu.memory_space<hbm>>
      %dma_start3A_505 = tpu.memref_slice %arg7[%dma_start3A_491] : memref<2x!tpu.dma_semaphore, #tpu.memory_space<semaphore_mem>> -> memref<1x!tpu.dma_semaphore, #tpu.memory_space<semaphore_mem>>
      %dma_start3A_506 = tpu.memref_squeeze %dma_start3A_505 : memref<1x!tpu.dma_semaphore, #tpu.memory_space<semaphore_mem>> -> memref<!tpu.dma_semaphore, #tpu.memory_space<semaphore_mem>>
      tpu.enqueue_indirect_dma source(%dma_start3A_504 : memref<1000000x64xf32, #tpu.memory_space<hbm>>) target(%dma_start3A_498 : memref<128x64xf32, #tpu.memory_space<vmem>>) offsets(%dma_start3A_501 : memref<128xi32, #tpu.memory_space<vmem>>) semaphore(%dma_start3A_506 : memref<!tpu.dma_semaphore, #tpu.memory_space<semaphore_mem>>)
      %mul3A_507 = arith.constant 4 : i32
      %mul3A_508 = arith.muli %add3A_485, %mul3A_507 : i32
      %add3A_509 = arith.constant 1 : i32
      %add3A_510 = arith.addi %mul3A_508, %add3A_509 : i32
      %dma_start3A_511 = arith.constant 0 : i32
      %dma_start3A_512 = arith.constant 0 : i32
      %dma_start3A_513 = arith.constant 0 : i32
      %dma_start3A_514 = arith.constant 0 : i32
      %dma_start3A_515 = tpu.memref_slice %arg6[%dma_start3A_511, %dma_start3A_513, %dma_start3A_514] : memref<2x512x64xf32, #tpu.memory_space<vmem>> -> memref<1x512x64xf32, #tpu.memory_space<vmem>>
      %dma_start3A_516 = tpu.memref_squeeze %dma_start3A_515 : memref<1x512x64xf32, #tpu.memory_space<vmem>> -> memref<512x64xf32, #tpu.memory_space<vmem>>
      %dma_start3A_517 = arith.constant 128 : i32
      %dma_start3A_518 = arith.constant 0 : i32
      %dma_start3A_519 = tpu.memref_slice %dma_start3A_516[%dma_start3A_517, %dma_start3A_518] : memref<512x64xf32, #tpu.memory_space<vmem>> -> memref<128x64xf32, #tpu.memory_space<vmem>>
      %dma_start3A_520 = arith.constant 0 : i32
      %dma_start3A_521 = tpu.memref_slice %arg5[%add3A_510, %dma_start3A_520] : memref<200x128xi32, #tpu.memory_space<vmem>> -> memref<1x128xi32, #tpu.memory_space<vmem>>
      %dma_start3A_522 = tpu.memref_squeeze %dma_start3A_521 : memref<1x128xi32, #tpu.memory_space<vmem>> -> memref<128xi32, #tpu.memory_space<vmem>>
      %dma_start3A_523 = arith.constant 0 : i32
      %dma_start3A_524 = arith.constant 0 : i32
      %dma_start3A_525 = tpu.memref_slice %arg3[%dma_start3A_523, %dma_start3A_524] : memref<1000000x64xf32, #tpu.memory_space<hbm>> -> memref<1000000x64xf32, #tpu.memory_space<hbm>>
      %dma_start3A_526 = tpu.memref_slice %arg7[%dma_start3A_512] : memref<2x!tpu.dma_semaphore, #tpu.memory_space<semaphore_mem>> -> memref<1x!tpu.dma_semaphore, #tpu.memory_space<semaphore_mem>>
      %dma_start3A_527 = tpu.memref_squeeze %dma_start3A_526 : memref<1x!tpu.dma_semaphore, #tpu.memory_space<semaphore_mem>> -> memref<!tpu.dma_semaphore, #tpu.memory_space<semaphore_mem>>
      tpu.enqueue_indirect_dma source(%dma_start3A_525 : memref<1000000x64xf32, #tpu.memory_space<hbm>>) target(%dma_start3A_519 : memref<128x64xf32, #tpu.memory_space<vmem>>) offsets(%dma_start3A_522 : memref<128xi32, #tpu.memory_space<vmem>>) semaphore(%dma_start3A_527 : memref<!tpu.dma_semaphore, #tpu.memory_space<semaphore_mem>>)
      %mul3A_528 = arith.constant 4 : i32
      %mul3A_529 = arith.muli %add3A_485, %mul3A_528 : i32
      %add3A_530 = arith.constant 2 : i32
      %add3A_531 = arith.addi %mul3A_529, %add3A_530 : i32
      %dma_start3A_532 = arith.constant 0 : i32
      %dma_start3A_533 = arith.constant 0 : i32
      %dma_start3A_534 = arith.constant 0 : i32
      %dma_start3A_535 = arith.constant 0 : i32
      %dma_start3A_536 = tpu.memref_slice %arg6[%dma_start3A_532, %dma_start3A_534, %dma_start3A_535] : memref<2x512x64xf32, #tpu.memory_space<vmem>> -> memref<1x512x64xf32, #tpu.memory_space<vmem>>
      %dma_start3A_537 = tpu.memref_squeeze %dma_start3A_536 : memref<1x512x64xf32, #tpu.memory_space<vmem>> -> memref<512x64xf32, #tpu.memory_space<vmem>>
      %dma_start3A_538 = arith.constant 256 : i32
      %dma_start3A_539 = arith.constant 0 : i32
      %dma_start3A_540 = tpu.memref_slice %dma_start3A_537[%dma_start3A_538, %dma_start3A_539] : memref<512x64xf32, #tpu.memory_space<vmem>> -> memref<128x64xf32, #tpu.memory_space<vmem>>
      %dma_start3A_541 = arith.constant 0 : i32
      %dma_start3A_542 = tpu.memref_slice %arg5[%add3A_531, %dma_start3A_541] : memref<200x128xi32, #tpu.memory_space<vmem>> -> memref<1x128xi32, #tpu.memory_space<vmem>>
      %dma_start3A_543 = tpu.memref_squeeze %dma_start3A_542 : memref<1x128xi32, #tpu.memory_space<vmem>> -> memref<128xi32, #tpu.memory_space<vmem>>
      %dma_start3A_544 = arith.constant 0 : i32
      %dma_start3A_545 = arith.constant 0 : i32
      %dma_start3A_546 = tpu.memref_slice %arg3[%dma_start3A_544, %dma_start3A_545] : memref<1000000x64xf32, #tpu.memory_space<hbm>> -> memref<1000000x64xf32, #tpu.memory_space<hbm>>
      %dma_start3A_547 = tpu.memref_slice %arg7[%dma_start3A_533] : memref<2x!tpu.dma_semaphore, #tpu.memory_space<semaphore_mem>> -> memref<1x!tpu.dma_semaphore, #tpu.memory_space<semaphore_mem>>
      %dma_start3A_548 = tpu.memref_squeeze %dma_start3A_547 : memref<1x!tpu.dma_semaphore, #tpu.memory_space<semaphore_mem>> -> memref<!tpu.dma_semaphore, #tpu.memory_space<semaphore_mem>>
      tpu.enqueue_indirect_dma source(%dma_start3A_546 : memref<1000000x64xf32, #tpu.memory_space<hbm>>) target(%dma_start3A_540 : memref<128x64xf32, #tpu.memory_space<vmem>>) offsets(%dma_start3A_543 : memref<128xi32, #tpu.memory_space<vmem>>) semaphore(%dma_start3A_548 : memref<!tpu.dma_semaphore, #tpu.memory_space<semaphore_mem>>)
      %mul3A_549 = arith.constant 4 : i32
      %mul3A_550 = arith.muli %add3A_485, %mul3A_549 : i32
      %add3A_551 = arith.constant 3 : i32
      %add3A_552 = arith.addi %mul3A_550, %add3A_551 : i32
      %dma_start3A_553 = arith.constant 0 : i32
      %dma_start3A_554 = arith.constant 0 : i32
      %dma_start3A_555 = arith.constant 0 : i32
      %dma_start3A_556 = arith.constant 0 : i32
      %dma_start3A_557 = tpu.memref_slice %arg6[%dma_start3A_553, %dma_start3A_555, %dma_start3A_556] : memref<2x512x64xf32, #tpu.memory_space<vmem>> -> memref<1x512x64xf32, #tpu.memory_space<vmem>>
      %dma_start3A_558 = tpu.memref_squeeze %dma_start3A_557 : memref<1x512x64xf32, #tpu.memory_space<vmem>> -> memref<512x64xf32, #tpu.memory_space<vmem>>
      %dma_start3A_559 = arith.constant 384 : i32
      %dma_start3A_560 = arith.constant 0 : i32
      %dma_start3A_561 = tpu.memref_slice %dma_start3A_558[%dma_start3A_559, %dma_start3A_560] : memref<512x64xf32, #tpu.memory_space<vmem>> -> memref<128x64xf32, #tpu.memory_space<vmem>>
      %dma_start3A_562 = arith.constant 0 : i32
      %dma_start3A_563 = tpu.memref_slice %arg5[%add3A_552, %dma_start3A_562] : memref<200x128xi32, #tpu.memory_space<vmem>> -> memref<1x128xi32, #tpu.memory_space<vmem>>
      %dma_start3A_564 = tpu.memref_squeeze %dma_start3A_563 : memref<1x128xi32, #tpu.memory_space<vmem>> -> memref<128xi32, #tpu.memory_space<vmem>>
      %dma_start3A_565 = arith.constant 0 : i32
      %dma_start3A_566 = arith.constant 0 : i32
      %dma_start3A_567 = tpu.memref_slice %arg3[%dma_start3A_565, %dma_start3A_566] : memref<1000000x64xf32, #tpu.memory_space<hbm>> -> memref<1000000x64xf32, #tpu.memory_space<hbm>>
      %dma_start3A_568 = tpu.memref_slice %arg7[%dma_start3A_554] : memref<2x!tpu.dma_semaphore, #tpu.memory_space<semaphore_mem>> -> memref<1x!tpu.dma_semaphore, #tpu.memory_space<semaphore_mem>>
      %dma_start3A_569 = tpu.memref_squeeze %dma_start3A_568 : memref<1x!tpu.dma_semaphore, #tpu.memory_space<semaphore_mem>> -> memref<!tpu.dma_semaphore, #tpu.memory_space<semaphore_mem>>
      tpu.enqueue_indirect_dma source(%dma_start3A_567 : memref<1000000x64xf32, #tpu.memory_space<hbm>>) target(%dma_start3A_561 : memref<128x64xf32, #tpu.memory_space<vmem>>) offsets(%dma_start3A_564 : memref<128xi32, #tpu.memory_space<vmem>>) semaphore(%dma_start3A_569 : memref<!tpu.dma_semaphore, #tpu.memory_space<semaphore_mem>>)
      %mul3A_570 = arith.constant 2 : i32
      %mul3A_571 = arith.muli %scan3A_369, %mul3A_570 : i32
      %add3A_572 = arith.constant 1 : i32
      %add3A_573 = arith.addi %mul3A_571, %add3A_572 : i32
      %dma_wait3A_574 = arith.constant 0 : i32
      %dma_wait3A_575 = arith.constant 1 : i32
      %dma_wait3A_576 = arith.constant 1 : i32
      %dma_wait3A_577 = arith.constant 0 : i32
      %dma_wait3A_578 = arith.constant 0 : i32
      %dma_wait3A_579 = tpu.memref_slice %arg6[%dma_wait3A_575, %dma_wait3A_577, %dma_wait3A_578] : memref<2x512x64xf32, #tpu.memory_space<vmem>> -> memref<1x512x64xf32, #tpu.memory_space<vmem>>
      %dma_wait3A_580 = tpu.memref_squeeze %dma_wait3A_579 : memref<1x512x64xf32, #tpu.memory_space<vmem>> -> memref<512x64xf32, #tpu.memory_space<vmem>>
      %dma_wait3A_581 = arith.constant 0 : i32
      %dma_wait3A_582 = arith.constant 0 : i32
      %dma_wait3A_583 = tpu.memref_slice %dma_wait3A_580[%dma_wait3A_581, %dma_wait3A_582] : memref<512x64xf32, #tpu.memory_space<vmem>> -> memref<128x64xf32, #tpu.memory_space<vmem>>
      %dma_wait3A_584 = arith.constant 0 : i32
      %dma_wait3A_585 = tpu.memref_slice %arg5[%dma_wait3A_574, %dma_wait3A_584] : memref<200x128xi32, #tpu.memory_space<vmem>> -> memref<1x128xi32, #tpu.memory_space<vmem>>
      %dma_wait3A_586 = tpu.memref_squeeze %dma_wait3A_585 : memref<1x128xi32, #tpu.memory_space<vmem>> -> memref<128xi32, #tpu.memory_space<vmem>>
      %dma_wait3A_587 = arith.constant 0 : i32
      %dma_wait3A_588 = arith.constant 0 : i32
      %dma_wait3A_589 = tpu.memref_slice %arg3[%dma_wait3A_587, %dma_wait3A_588] : memref<1000000x64xf32, #tpu.memory_space<hbm>> -> memref<1000000x64xf32, #tpu.memory_space<hbm>>
      %dma_wait3A_590 = tpu.memref_slice %arg7[%dma_wait3A_576] : memref<2x!tpu.dma_semaphore, #tpu.memory_space<semaphore_mem>> -> memref<1x!tpu.dma_semaphore, #tpu.memory_space<semaphore_mem>>
      %dma_wait3A_591 = tpu.memref_squeeze %dma_wait3A_590 : memref<1x!tpu.dma_semaphore, #tpu.memory_space<semaphore_mem>> -> memref<!tpu.dma_semaphore, #tpu.memory_space<semaphore_mem>>
      tpu.wait_indirect_dma semaphore(%dma_wait3A_591 : memref<!tpu.dma_semaphore, #tpu.memory_space<semaphore_mem>>) src(%dma_wait3A_589 : memref<1000000x64xf32, #tpu.memory_space<hbm>>) dst(%dma_wait3A_583 : memref<128x64xf32, #tpu.memory_space<vmem>>)
      %dma_wait3A_592 = arith.constant 0 : i32
      %dma_wait3A_593 = arith.constant 1 : i32
      %dma_wait3A_594 = arith.constant 1 : i32
      %dma_wait3A_595 = arith.constant 0 : i32
      %dma_wait3A_596 = arith.constant 0 : i32
      %dma_wait3A_597 = tpu.memref_slice %arg6[%dma_wait3A_593, %dma_wait3A_595, %dma_wait3A_596] : memref<2x512x64xf32, #tpu.memory_space<vmem>> -> memref<1x512x64xf32, #tpu.memory_space<vmem>>
      %dma_wait3A_598 = tpu.memref_squeeze %dma_wait3A_597 : memref<1x512x64xf32, #tpu.memory_space<vmem>> -> memref<512x64xf32, #tpu.memory_space<vmem>>
      %dma_wait3A_599 = arith.constant 0 : i32
      %dma_wait3A_600 = arith.constant 0 : i32
      %dma_wait3A_601 = tpu.memref_slice %dma_wait3A_598[%dma_wait3A_599, %dma_wait3A_600] : memref<512x64xf32, #tpu.memory_space<vmem>> -> memref<128x64xf32, #tpu.memory_space<vmem>>
      %dma_wait3A_602 = arith.constant 0 : i32
      %dma_wait3A_603 = tpu.memref_slice %arg5[%dma_wait3A_592, %dma_wait3A_602] : memref<200x128xi32, #tpu.memory_space<vmem>> -> memref<1x128xi32, #tpu.memory_space<vmem>>
      %dma_wait3A_604 = tpu.memref_squeeze %dma_wait3A_603 : memref<1x128xi32, #tpu.memory_space<vmem>> -> memref<128xi32, #tpu.memory_space<vmem>>
      %dma_wait3A_605 = arith.constant 0 : i32
      %dma_wait3A_606 = arith.constant 0 : i32
      %dma_wait3A_607 = tpu.memref_slice %arg3[%dma_wait3A_605, %dma_wait3A_606] : memref<1000000x64xf32, #tpu.memory_space<hbm>> -> memref<1000000x64xf32, #tpu.memory_space<hbm>>
      %dma_wait3A_608 = tpu.memref_slice %arg7[%dma_wait3A_594] : memref<2x!tpu.dma_semaphore, #tpu.memory_space<semaphore_mem>> -> memref<1x!tpu.dma_semaphore, #tpu.memory_space<semaphore_mem>>
      %dma_wait3A_609 = tpu.memref_squeeze %dma_wait3A_608 : memref<1x!tpu.dma_semaphore, #tpu.memory_space<semaphore_mem>> -> memref<!tpu.dma_semaphore, #tpu.memory_space<semaphore_mem>>
      tpu.wait_indirect_dma semaphore(%dma_wait3A_609 : memref<!tpu.dma_semaphore, #tpu.memory_space<semaphore_mem>>) src(%dma_wait3A_607 : memref<1000000x64xf32, #tpu.memory_space<hbm>>) dst(%dma_wait3A_601 : memref<128x64xf32, #tpu.memory_space<vmem>>)
      %dma_wait3A_610 = arith.constant 0 : i32
      %dma_wait3A_611 = arith.constant 1 : i32
      %dma_wait3A_612 = arith.constant 1 : i32
      %dma_wait3A_613 = arith.constant 0 : i32
      %dma_wait3A_614 = arith.constant 0 : i32
      %dma_wait3A_615 = tpu.memref_slice %arg6[%dma_wait3A_611, %dma_wait3A_613, %dma_wait3A_614] : memref<2x512x64xf32, #tpu.memory_space<vmem>> -> memref<1x512x64xf32, #tpu.memory_space<vmem>>
      %dma_wait3A_616 = tpu.memref_squeeze %dma_wait3A_615 : memref<1x512x64xf32, #tpu.memory_space<vmem>> -> memref<512x64xf32, #tpu.memory_space<vmem>>
      %dma_wait3A_617 = arith.constant 0 : i32
      %dma_wait3A_618 = arith.constant 0 : i32
      %dma_wait3A_619 = tpu.memref_slice %dma_wait3A_616[%dma_wait3A_617, %dma_wait3A_618] : memref<512x64xf32, #tpu.memory_space<vmem>> -> memref<128x64xf32, #tpu.memory_space<vmem>>
      %dma_wait3A_620 = arith.constant 0 : i32
      %dma_wait3A_621 = tpu.memref_slice %arg5[%dma_wait3A_610, %dma_wait3A_620] : memref<200x128xi32, #tpu.memory_space<vmem>> -> memref<1x128xi32, #tpu.memory_space<vmem>>
      %dma_wait3A_622 = tpu.memref_squeeze %dma_wait3A_621 : memref<1x128xi32, #tpu.memory_space<vmem>> -> memref<128xi32, #tpu.memory_space<vmem>>
      %dma_wait3A_623 = arith.constant 0 : i32
      %dma_wait3A_624 = arith.constant 0 : i32
      %dma_wait3A_625 = tpu.memref_slice %arg3[%dma_wait3A_623, %dma_wait3A_624] : memref<1000000x64xf32, #tpu.memory_space<hbm>> -> memref<1000000x64xf32, #tpu.memory_space<hbm>>
      %dma_wait3A_626 = tpu.memref_slice %arg7[%dma_wait3A_612] : memref<2x!tpu.dma_semaphore, #tpu.memory_space<semaphore_mem>> -> memref<1x!tpu.dma_semaphore, #tpu.memory_space<semaphore_mem>>
      %dma_wait3A_627 = tpu.memref_squeeze %dma_wait3A_626 : memref<1x!tpu.dma_semaphore, #tpu.memory_space<semaphore_mem>> -> memref<!tpu.dma_semaphore, #tpu.memory_space<semaphore_mem>>
      tpu.wait_indirect_dma semaphore(%dma_wait3A_627 : memref<!tpu.dma_semaphore, #tpu.memory_space<semaphore_mem>>) src(%dma_wait3A_625 : memref<1000000x64xf32, #tpu.memory_space<hbm>>) dst(%dma_wait3A_619 : memref<128x64xf32, #tpu.memory_space<vmem>>)
      %dma_wait3A_628 = arith.constant 0 : i32
      %dma_wait3A_629 = arith.constant 1 : i32
      %dma_wait3A_630 = arith.constant 1 : i32
      %dma_wait3A_631 = arith.constant 0 : i32
      %dma_wait3A_632 = arith.constant 0 : i32
      %dma_wait3A_633 = tpu.memref_slice %arg6[%dma_wait3A_629, %dma_wait3A_631, %dma_wait3A_632] : memref<2x512x64xf32, #tpu.memory_space<vmem>> -> memref<1x512x64xf32, #tpu.memory_space<vmem>>
      %dma_wait3A_634 = tpu.memref_squeeze %dma_wait3A_633 : memref<1x512x64xf32, #tpu.memory_space<vmem>> -> memref<512x64xf32, #tpu.memory_space<vmem>>
      %dma_wait3A_635 = arith.constant 0 : i32
      %dma_wait3A_636 = arith.constant 0 : i32
      %dma_wait3A_637 = tpu.memref_slice %dma_wait3A_634[%dma_wait3A_635, %dma_wait3A_636] : memref<512x64xf32, #tpu.memory_space<vmem>> -> memref<128x64xf32, #tpu.memory_space<vmem>>
      %dma_wait3A_638 = arith.constant 0 : i32
      %dma_wait3A_639 = tpu.memref_slice %arg5[%dma_wait3A_628, %dma_wait3A_638] : memref<200x128xi32, #tpu.memory_space<vmem>> -> memref<1x128xi32, #tpu.memory_space<vmem>>
      %dma_wait3A_640 = tpu.memref_squeeze %dma_wait3A_639 : memref<1x128xi32, #tpu.memory_space<vmem>> -> memref<128xi32, #tpu.memory_space<vmem>>
      %dma_wait3A_641 = arith.constant 0 : i32
      %dma_wait3A_642 = arith.constant 0 : i32
      %dma_wait3A_643 = tpu.memref_slice %arg3[%dma_wait3A_641, %dma_wait3A_642] : memref<1000000x64xf32, #tpu.memory_space<hbm>> -> memref<1000000x64xf32, #tpu.memory_space<hbm>>
      %dma_wait3A_644 = tpu.memref_slice %arg7[%dma_wait3A_630] : memref<2x!tpu.dma_semaphore, #tpu.memory_space<semaphore_mem>> -> memref<1x!tpu.dma_semaphore, #tpu.memory_space<semaphore_mem>>
      %dma_wait3A_645 = tpu.memref_squeeze %dma_wait3A_644 : memref<1x!tpu.dma_semaphore, #tpu.memory_space<semaphore_mem>> -> memref<!tpu.dma_semaphore, #tpu.memory_space<semaphore_mem>>
      tpu.wait_indirect_dma semaphore(%dma_wait3A_645 : memref<!tpu.dma_semaphore, #tpu.memory_space<semaphore_mem>>) src(%dma_wait3A_643 : memref<1000000x64xf32, #tpu.memory_space<hbm>>) dst(%dma_wait3A_637 : memref<128x64xf32, #tpu.memory_space<vmem>>)
      %mul3A_646 = arith.constant 512 : i32
      %mul3A_647 = arith.muli %add3A_573, %mul3A_646 : i32
      %add3A_648 = arith.addi %mul3A_2, %mul3A_647 : i32
      %multiple_of3A_649 = tpu.assume_multiple %add3A_648, 512 : i32
      %dma_start3A_650 = arith.constant 1 : i32
      %dma_start3A_651 = arith.constant 1 : i32
      %dma_start3A_652 = arith.constant 0 : i32
      %dma_start3A_653 = arith.constant 0 : i32
      %dma_start3A_654 = tpu.memref_slice %arg6[%dma_start3A_650, %dma_start3A_652, %dma_start3A_653] : memref<2x512x64xf32, #tpu.memory_space<vmem>> -> memref<1x512x64xf32, #tpu.memory_space<vmem>>
      %dma_start3A_655 = tpu.memref_squeeze %dma_start3A_654 : memref<1x512x64xf32, #tpu.memory_space<vmem>> -> memref<512x64xf32, #tpu.memory_space<vmem>>
      %dma_start3A_656 = arith.constant 0 : i32
      %dma_start3A_657 = tpu.memref_slice %arg4[%multiple_of3A_649, %dma_start3A_656] : memref<819200x64xf32, #tpu.memory_space<hbm>> -> memref<512x64xf32, #tpu.memory_space<hbm>>
      %dma_start3A_658 = tpu.memref_slice %arg8[%dma_start3A_651] : memref<2x!tpu.dma_semaphore, #tpu.memory_space<semaphore_mem>> -> memref<1x!tpu.dma_semaphore, #tpu.memory_space<semaphore_mem>>
      %dma_start3A_659 = tpu.memref_squeeze %dma_start3A_658 : memref<1x!tpu.dma_semaphore, #tpu.memory_space<semaphore_mem>> -> memref<!tpu.dma_semaphore, #tpu.memory_space<semaphore_mem>>
      %dma_start3A_660 = arith.constant 0 : i32
      %dma_start3A_661 = tpu.memref_slice %arg4[%multiple_of3A_649, %dma_start3A_660] : memref<819200x64xf32, #tpu.memory_space<hbm>> -> memref<512x64xf32, #tpu.memory_space<hbm>>
      %dma_start3A_662 = arith.constant 0 : i32
      %dma_start3A_663 = arith.constant 0 : i32
      %dma_start3A_664 = tpu.memref_slice %arg6[%dma_start3A_650, %dma_start3A_662, %dma_start3A_663] : memref<2x512x64xf32, #tpu.memory_space<vmem>> -> memref<1x512x64xf32, #tpu.memory_space<vmem>>
      %dma_start3A_665 = tpu.memref_squeeze %dma_start3A_664 : memref<1x512x64xf32, #tpu.memory_space<vmem>> -> memref<512x64xf32, #tpu.memory_space<vmem>>
      tpu.enqueue_dma source(%dma_start3A_665 : memref<512x64xf32, #tpu.memory_space<vmem>>) target(%dma_start3A_661 : memref<512x64xf32, #tpu.memory_space<hbm>>) target_semaphore(%dma_start3A_659 : memref<!tpu.dma_semaphore, #tpu.memory_space<semaphore_mem>>)
      %dma_wait3A_666 = arith.constant 1 : i32
      %dma_wait3A_667 = arith.constant 1 : i32
      %dma_wait3A_668 = arith.constant 0 : i32
      %dma_wait3A_669 = arith.constant 0 : i32
      %dma_wait3A_670 = tpu.memref_slice %arg6[%dma_wait3A_666, %dma_wait3A_668, %dma_wait3A_669] : memref<2x512x64xf32, #tpu.memory_space<vmem>> -> memref<1x512x64xf32, #tpu.memory_space<vmem>>
      %dma_wait3A_671 = tpu.memref_squeeze %dma_wait3A_670 : memref<1x512x64xf32, #tpu.memory_space<vmem>> -> memref<512x64xf32, #tpu.memory_space<vmem>>
      %dma_wait3A_672 = arith.constant 0 : i32
      %dma_wait3A_673 = arith.constant 0 : i32
      %dma_wait3A_674 = tpu.memref_slice %arg4[%dma_wait3A_672, %dma_wait3A_673] : memref<819200x64xf32, #tpu.memory_space<hbm>> -> memref<512x64xf32, #tpu.memory_space<hbm>>
      %dma_wait3A_675 = tpu.memref_slice %arg8[%dma_wait3A_667] : memref<2x!tpu.dma_semaphore, #tpu.memory_space<semaphore_mem>> -> memref<1x!tpu.dma_semaphore, #tpu.memory_space<semaphore_mem>>
      %dma_wait3A_676 = tpu.memref_squeeze %dma_wait3A_675 : memref<1x!tpu.dma_semaphore, #tpu.memory_space<semaphore_mem>> -> memref<!tpu.dma_semaphore, #tpu.memory_space<semaphore_mem>>
      %dma_wait3A_677 = arith.constant 0 : i32
      %dma_wait3A_678 = arith.constant 0 : i32
      %dma_wait3A_679 = tpu.memref_slice %arg4[%dma_wait3A_677, %dma_wait3A_678] : memref<819200x64xf32, #tpu.memory_space<hbm>> -> memref<512x64xf32, #tpu.memory_space<hbm>>
      %dma_wait3A_680 = arith.constant 0 : i32
      %dma_wait3A_681 = arith.constant 0 : i32
      %dma_wait3A_682 = tpu.memref_slice %arg6[%dma_wait3A_666, %dma_wait3A_680, %dma_wait3A_681] : memref<2x512x64xf32, #tpu.memory_space<vmem>> -> memref<1x512x64xf32, #tpu.memory_space<vmem>>
      %dma_wait3A_683 = tpu.memref_squeeze %dma_wait3A_682 : memref<1x512x64xf32, #tpu.memory_space<vmem>> -> memref<512x64xf32, #tpu.memory_space<vmem>>
      tpu.wait_dma2 semaphore(%dma_wait3A_676 : memref<!tpu.dma_semaphore, #tpu.memory_space<semaphore_mem>>) src(%dma_wait3A_683 : memref<512x64xf32, #tpu.memory_space<vmem>>) dst(%dma_wait3A_679 : memref<512x64xf32, #tpu.memory_space<hbm>>)
      %add3A_684 = arith.constant 2 : i32
      %add3A_685 = arith.addi %add3A_573, %add3A_684 : i32
      %mul3A_686 = arith.constant 4 : i32
      %mul3A_687 = arith.muli %add3A_685, %mul3A_686 : i32
      %add3A_688 = arith.constant 0 : i32
      %add3A_689 = arith.addi %mul3A_687, %add3A_688 : i32
      %dma_start3A_690 = arith.constant 1 : i32
      %dma_start3A_691 = arith.constant 1 : i32
      %dma_start3A_692 = arith.constant 0 : i32
      %dma_start3A_693 = arith.constant 0 : i32
      %dma_start3A_694 = tpu.memref_slice %arg6[%dma_start3A_690, %dma_start3A_692, %dma_start3A_693] : memref<2x512x64xf32, #tpu.memory_space<vmem>> -> memref<1x512x64xf32, #tpu.memory_space<vmem>>
      %dma_start3A_695 = tpu.memref_squeeze %dma_start3A_694 : memref<1x512x64xf32, #tpu.memory_space<vmem>> -> memref<512x64xf32, #tpu.memory_space<vmem>>
      %dma_start3A_696 = arith.constant 0 : i32
      %dma_start3A_697 = arith.constant 0 : i32
      %dma_start3A_698 = tpu.memref_slice %dma_start3A_695[%dma_start3A_696, %dma_start3A_697] : memref<512x64xf32, #tpu.memory_space<vmem>> -> memref<128x64xf32, #tpu.memory_space<vmem>>
      %dma_start3A_699 = arith.constant 0 : i32
      %dma_start3A_700 = tpu.memref_slice %arg5[%add3A_689, %dma_start3A_699] : memref<200x128xi32, #tpu.memory_space<vmem>> -> memref<1x128xi32, #tpu.memory_space<vmem>>
      %dma_start3A_701 = tpu.memref_squeeze %dma_start3A_700 : memref<1x128xi32, #tpu.memory_space<vmem>> -> memref<128xi32, #tpu.memory_space<vmem>>
      %dma_start3A_702 = arith.constant 0 : i32
      %dma_start3A_703 = arith.constant 0 : i32
      %dma_start3A_704 = tpu.memref_slice %arg3[%dma_start3A_702, %dma_start3A_703] : memref<1000000x64xf32, #tpu.memory_space<hbm>> -> memref<1000000x64xf32, #tpu.memory_space<hbm>>
      %dma_start3A_705 = tpu.memref_slice %arg7[%dma_start3A_691] : memref<2x!tpu.dma_semaphore, #tpu.memory_space<semaphore_mem>> -> memref<1x!tpu.dma_semaphore, #tpu.memory_space<semaphore_mem>>
      %dma_start3A_706 = tpu.memref_squeeze %dma_start3A_705 : memref<1x!tpu.dma_semaphore, #tpu.memory_space<semaphore_mem>> -> memref<!tpu.dma_semaphore, #tpu.memory_space<semaphore_mem>>
      tpu.enqueue_indirect_dma source(%dma_start3A_704 : memref<1000000x64xf32, #tpu.memory_space<hbm>>) target(%dma_start3A_698 : memref<128x64xf32, #tpu.memory_space<vmem>>) offsets(%dma_start3A_701 : memref<128xi32, #tpu.memory_space<vmem>>) semaphore(%dma_start3A_706 : memref<!tpu.dma_semaphore, #tpu.memory_space<semaphore_mem>>)
      %mul3A_707 = arith.constant 4 : i32
      %mul3A_708 = arith.muli %add3A_685, %mul3A_707 : i32
      %add3A_709 = arith.constant 1 : i32
      %add3A_710 = arith.addi %mul3A_708, %add3A_709 : i32
      %dma_start3A_711 = arith.constant 1 : i32
      %dma_start3A_712 = arith.constant 1 : i32
      %dma_start3A_713 = arith.constant 0 : i32
      %dma_start3A_714 = arith.constant 0 : i32
      %dma_start3A_715 = tpu.memref_slice %arg6[%dma_start3A_711, %dma_start3A_713, %dma_start3A_714] : memref<2x512x64xf32, #tpu.memory_space<vmem>> -> memref<1x512x64xf32, #tpu.memory_space<vmem>>
      %dma_start3A_716 = tpu.memref_squeeze %dma_start3A_715 : memref<1x512x64xf32, #tpu.memory_space<vmem>> -> memref<512x64xf32, #tpu.memory_space<vmem>>
      %dma_start3A_717 = arith.constant 128 : i32
      %dma_start3A_718 = arith.constant 0 : i32
      %dma_start3A_719 = tpu.memref_slice %dma_start3A_716[%dma_start3A_717, %dma_start3A_718] : memref<512x64xf32, #tpu.memory_space<vmem>> -> memref<128x64xf32, #tpu.memory_space<vmem>>
      %dma_start3A_720 = arith.constant 0 : i32
      %dma_start3A_721 = tpu.memref_slice %arg5[%add3A_710, %dma_start3A_720] : memref<200x128xi32, #tpu.memory_space<vmem>> -> memref<1x128xi32, #tpu.memory_space<vmem>>
      %dma_start3A_722 = tpu.memref_squeeze %dma_start3A_721 : memref<1x128xi32, #tpu.memory_space<vmem>> -> memref<128xi32, #tpu.memory_space<vmem>>
      %dma_start3A_723 = arith.constant 0 : i32
      %dma_start3A_724 = arith.constant 0 : i32
      %dma_start3A_725 = tpu.memref_slice %arg3[%dma_start3A_723, %dma_start3A_724] : memref<1000000x64xf32, #tpu.memory_space<hbm>> -> memref<1000000x64xf32, #tpu.memory_space<hbm>>
      %dma_start3A_726 = tpu.memref_slice %arg7[%dma_start3A_712] : memref<2x!tpu.dma_semaphore, #tpu.memory_space<semaphore_mem>> -> memref<1x!tpu.dma_semaphore, #tpu.memory_space<semaphore_mem>>
      %dma_start3A_727 = tpu.memref_squeeze %dma_start3A_726 : memref<1x!tpu.dma_semaphore, #tpu.memory_space<semaphore_mem>> -> memref<!tpu.dma_semaphore, #tpu.memory_space<semaphore_mem>>
      tpu.enqueue_indirect_dma source(%dma_start3A_725 : memref<1000000x64xf32, #tpu.memory_space<hbm>>) target(%dma_start3A_719 : memref<128x64xf32, #tpu.memory_space<vmem>>) offsets(%dma_start3A_722 : memref<128xi32, #tpu.memory_space<vmem>>) semaphore(%dma_start3A_727 : memref<!tpu.dma_semaphore, #tpu.memory_space<semaphore_mem>>)
      %mul3A_728 = arith.constant 4 : i32
      %mul3A_729 = arith.muli %add3A_685, %mul3A_728 : i32
      %add3A_730 = arith.constant 2 : i32
      %add3A_731 = arith.addi %mul3A_729, %add3A_730 : i32
      %dma_start3A_732 = arith.constant 1 : i32
      %dma_start3A_733 = arith.constant 1 : i32
      %dma_start3A_734 = arith.constant 0 : i32
      %dma_start3A_735 = arith.constant 0 : i32
      %dma_start3A_736 = tpu.memref_slice %arg6[%dma_start3A_732, %dma_start3A_734, %dma_start3A_735] : memref<2x512x64xf32, #tpu.memory_space<vmem>> -> memref<1x512x64xf32, #tpu.memory_space<vmem>>
      %dma_start3A_737 = tpu.memref_squeeze %dma_start3A_736 : memref<1x512x64xf32, #tpu.memory_space<vmem>> -> memref<512x64xf32, #tpu.memory_space<vmem>>
      %dma_start3A_738 = arith.constant 256 : i32
      %dma_start3A_739 = arith.constant 0 : i32
      %dma_start3A_740 = tpu.memref_slice %dma_start3A_737[%dma_start3A_738, %dma_start3A_739] : memref<512x64xf32, #tpu.memory_space<vmem>> -> memref<128x64xf32, #tpu.memory_space<vmem>>
      %dma_start3A_741 = arith.constant 0 : i32
      %dma_start3A_742 = tpu.memref_slice %arg5[%add3A_731, %dma_start3A_741] : memref<200x128xi32, #tpu.memory_space<vmem>> -> memref<1x128xi32, #tpu.memory_space<vmem>>
      %dma_start3A_743 = tpu.memref_squeeze %dma_start3A_742 : memref<1x128xi32, #tpu.memory_space<vmem>> -> memref<128xi32, #tpu.memory_space<vmem>>
      %dma_start3A_744 = arith.constant 0 : i32
      %dma_start3A_745 = arith.constant 0 : i32
      %dma_start3A_746 = tpu.memref_slice %arg3[%dma_start3A_744, %dma_start3A_745] : memref<1000000x64xf32, #tpu.memory_space<hbm>> -> memref<1000000x64xf32, #tpu.memory_space<hbm>>
      %dma_start3A_747 = tpu.memref_slice %arg7[%dma_start3A_733] : memref<2x!tpu.dma_semaphore, #tpu.memory_space<semaphore_mem>> -> memref<1x!tpu.dma_semaphore, #tpu.memory_space<semaphore_mem>>
      %dma_start3A_748 = tpu.memref_squeeze %dma_start3A_747 : memref<1x!tpu.dma_semaphore, #tpu.memory_space<semaphore_mem>> -> memref<!tpu.dma_semaphore, #tpu.memory_space<semaphore_mem>>
      tpu.enqueue_indirect_dma source(%dma_start3A_746 : memref<1000000x64xf32, #tpu.memory_space<hbm>>) target(%dma_start3A_740 : memref<128x64xf32, #tpu.memory_space<vmem>>) offsets(%dma_start3A_743 : memref<128xi32, #tpu.memory_space<vmem>>) semaphore(%dma_start3A_748 : memref<!tpu.dma_semaphore, #tpu.memory_space<semaphore_mem>>)
      %mul3A_749 = arith.constant 4 : i32
      %mul3A_750 = arith.muli %add3A_685, %mul3A_749 : i32
      %add3A_751 = arith.constant 3 : i32
      %add3A_752 = arith.addi %mul3A_750, %add3A_751 : i32
      %dma_start3A_753 = arith.constant 1 : i32
      %dma_start3A_754 = arith.constant 1 : i32
      %dma_start3A_755 = arith.constant 0 : i32
      %dma_start3A_756 = arith.constant 0 : i32
      %dma_start3A_757 = tpu.memref_slice %arg6[%dma_start3A_753, %dma_start3A_755, %dma_start3A_756] : memref<2x512x64xf32, #tpu.memory_space<vmem>> -> memref<1x512x64xf32, #tpu.memory_space<vmem>>
      %dma_start3A_758 = tpu.memref_squeeze %dma_start3A_757 : memref<1x512x64xf32, #tpu.memory_space<vmem>> -> memref<512x64xf32, #tpu.memory_space<vmem>>
      %dma_start3A_759 = arith.constant 384 : i32
      %dma_start3A_760 = arith.constant 0 : i32
      %dma_start3A_761 = tpu.memref_slice %dma_start3A_758[%dma_start3A_759, %dma_start3A_760] : memref<512x64xf32, #tpu.memory_space<vmem>> -> memref<128x64xf32, #tpu.memory_space<vmem>>
      %dma_start3A_762 = arith.constant 0 : i32
      %dma_start3A_763 = tpu.memref_slice %arg5[%add3A_752, %dma_start3A_762] : memref<200x128xi32, #tpu.memory_space<vmem>> -> memref<1x128xi32, #tpu.memory_space<vmem>>
      %dma_start3A_764 = tpu.memref_squeeze %dma_start3A_763 : memref<1x128xi32, #tpu.memory_space<vmem>> -> memref<128xi32, #tpu.memory_space<vmem>>
      %dma_start3A_765 = arith.constant 0 : i32
      %dma_start3A_766 = arith.constant 0 : i32
      %dma_start3A_767 = tpu.memref_slice %arg3[%dma_start3A_765, %dma_start3A_766] : memref<1000000x64xf32, #tpu.memory_space<hbm>> -> memref<1000000x64xf32, #tpu.memory_space<hbm>>
      %dma_start3A_768 = tpu.memref_slice %arg7[%dma_start3A_754] : memref<2x!tpu.dma_semaphore, #tpu.memory_space<semaphore_mem>> -> memref<1x!tpu.dma_semaphore, #tpu.memory_space<semaphore_mem>>
      %dma_start3A_769 = tpu.memref_squeeze %dma_start3A_768 : memref<1x!tpu.dma_semaphore, #tpu.memory_space<semaphore_mem>> -> memref<!tpu.dma_semaphore, #tpu.memory_space<semaphore_mem>>
      tpu.enqueue_indirect_dma source(%dma_start3A_767 : memref<1000000x64xf32, #tpu.memory_space<hbm>>) target(%dma_start3A_761 : memref<128x64xf32, #tpu.memory_space<vmem>>) offsets(%dma_start3A_764 : memref<128xi32, #tpu.memory_space<vmem>>) semaphore(%dma_start3A_769 : memref<!tpu.dma_semaphore, #tpu.memory_space<semaphore_mem>>)
    }
    %scan3A_152 = arith.constant 24 : i32
    %dma_wait3A = arith.constant 0 : i32
    %dma_wait3A_153 = arith.constant 0 : i32
    %dma_wait3A_154 = arith.constant 0 : i32
    %dma_wait3A_155 = arith.constant 0 : i32
    %dma_wait3A_156 = arith.constant 0 : i32
    %dma_wait3A_157 = tpu.memref_slice %arg6[%dma_wait3A_153, %dma_wait3A_155, %dma_wait3A_156] : memref<2x512x64xf32, #tpu.memory_space<vmem>> -> memref<1x512x64xf32, #tpu.memory_space<vmem>>
    %dma_wait3A_158 = tpu.memref_squeeze %dma_wait3A_157 : memref<1x512x64xf32, #tpu.memory_space<vmem>> -> memref<512x64xf32, #tpu.memory_space<vmem>>
    %dma_wait3A_159 = arith.constant 0 : i32
    %dma_wait3A_160 = arith.constant 0 : i32
    %dma_wait3A_161 = tpu.memref_slice %dma_wait3A_158[%dma_wait3A_159, %dma_wait3A_160] : memref<512x64xf32, #tpu.memory_space<vmem>> -> memref<128x64xf32, #tpu.memory_space<vmem>>
    %dma_wait3A_162 = arith.constant 0 : i32
    %dma_wait3A_163 = tpu.memref_slice %arg5[%dma_wait3A, %dma_wait3A_162] : memref<200x128xi32, #tpu.memory_space<vmem>> -> memref<1x128xi32, #tpu.memory_space<vmem>>
    %dma_wait3A_164 = tpu.memref_squeeze %dma_wait3A_163 : memref<1x128xi32, #tpu.memory_space<vmem>> -> memref<128xi32, #tpu.memory_space<vmem>>
    %dma_wait3A_165 = arith.constant 0 : i32
    %dma_wait3A_166 = arith.constant 0 : i32
    %dma_wait3A_167 = tpu.memref_slice %arg3[%dma_wait3A_165, %dma_wait3A_166] : memref<1000000x64xf32, #tpu.memory_space<hbm>> -> memref<1000000x64xf32, #tpu.memory_space<hbm>>
    %dma_wait3A_168 = tpu.memref_slice %arg7[%dma_wait3A_154] : memref<2x!tpu.dma_semaphore, #tpu.memory_space<semaphore_mem>> -> memref<1x!tpu.dma_semaphore, #tpu.memory_space<semaphore_mem>>
    %dma_wait3A_169 = tpu.memref_squeeze %dma_wait3A_168 : memref<1x!tpu.dma_semaphore, #tpu.memory_space<semaphore_mem>> -> memref<!tpu.dma_semaphore, #tpu.memory_space<semaphore_mem>>
    tpu.wait_indirect_dma semaphore(%dma_wait3A_169 : memref<!tpu.dma_semaphore, #tpu.memory_space<semaphore_mem>>) src(%dma_wait3A_167 : memref<1000000x64xf32, #tpu.memory_space<hbm>>) dst(%dma_wait3A_161 : memref<128x64xf32, #tpu.memory_space<vmem>>)
    %dma_wait3A_170 = arith.constant 0 : i32
    %dma_wait3A_171 = arith.constant 0 : i32
    %dma_wait3A_172 = arith.constant 0 : i32
    %dma_wait3A_173 = arith.constant 0 : i32
    %dma_wait3A_174 = arith.constant 0 : i32
    %dma_wait3A_175 = tpu.memref_slice %arg6[%dma_wait3A_171, %dma_wait3A_173, %dma_wait3A_174] : memref<2x512x64xf32, #tpu.memory_space<vmem>> -> memref<1x512x64xf32, #tpu.memory_space<vmem>>
    %dma_wait3A_176 = tpu.memref_squeeze %dma_wait3A_175 : memref<1x512x64xf32, #tpu.memory_space<vmem>> -> memref<512x64xf32, #tpu.memory_space<vmem>>
    %dma_wait3A_177 = arith.constant 0 : i32
    %dma_wait3A_178 = arith.constant 0 : i32
    %dma_wait3A_179 = tpu.memref_slice %dma_wait3A_176[%dma_wait3A_177, %dma_wait3A_178] : memref<512x64xf32, #tpu.memory_space<vmem>> -> memref<128x64xf32, #tpu.memory_space<vmem>>
    %dma_wait3A_180 = arith.constant 0 : i32
    %dma_wait3A_181 = tpu.memref_slice %arg5[%dma_wait3A_170, %dma_wait3A_180] : memref<200x128xi32, #tpu.memory_space<vmem>> -> memref<1x128xi32, #tpu.memory_space<vmem>>
    %dma_wait3A_182 = tpu.memref_squeeze %dma_wait3A_181 : memref<1x128xi32, #tpu.memory_space<vmem>> -> memref<128xi32, #tpu.memory_space<vmem>>
    %dma_wait3A_183 = arith.constant 0 : i32
    %dma_wait3A_184 = arith.constant 0 : i32
    %dma_wait3A_185 = tpu.memref_slice %arg3[%dma_wait3A_183, %dma_wait3A_184] : memref<1000000x64xf32, #tpu.memory_space<hbm>> -> memref<1000000x64xf32, #tpu.memory_space<hbm>>
    %dma_wait3A_186 = tpu.memref_slice %arg7[%dma_wait3A_172] : memref<2x!tpu.dma_semaphore, #tpu.memory_space<semaphore_mem>> -> memref<1x!tpu.dma_semaphore, #tpu.memory_space<semaphore_mem>>
    %dma_wait3A_187 = tpu.memref_squeeze %dma_wait3A_186 : memref<1x!tpu.dma_semaphore, #tpu.memory_space<semaphore_mem>> -> memref<!tpu.dma_semaphore, #tpu.memory_space<semaphore_mem>>
    tpu.wait_indirect_dma semaphore(%dma_wait3A_187 : memref<!tpu.dma_semaphore, #tpu.memory_space<semaphore_mem>>) src(%dma_wait3A_185 : memref<1000000x64xf32, #tpu.memory_space<hbm>>) dst(%dma_wait3A_179 : memref<128x64xf32, #tpu.memory_space<vmem>>)
    %dma_wait3A_188 = arith.constant 0 : i32
    %dma_wait3A_189 = arith.constant 0 : i32
    %dma_wait3A_190 = arith.constant 0 : i32
    %dma_wait3A_191 = arith.constant 0 : i32
    %dma_wait3A_192 = arith.constant 0 : i32
    %dma_wait3A_193 = tpu.memref_slice %arg6[%dma_wait3A_189, %dma_wait3A_191, %dma_wait3A_192] : memref<2x512x64xf32, #tpu.memory_space<vmem>> -> memref<1x512x64xf32, #tpu.memory_space<vmem>>
    %dma_wait3A_194 = tpu.memref_squeeze %dma_wait3A_193 : memref<1x512x64xf32, #tpu.memory_space<vmem>> -> memref<512x64xf32, #tpu.memory_space<vmem>>
    %dma_wait3A_195 = arith.constant 0 : i32
    %dma_wait3A_196 = arith.constant 0 : i32
    %dma_wait3A_197 = tpu.memref_slice %dma_wait3A_194[%dma_wait3A_195, %dma_wait3A_196] : memref<512x64xf32, #tpu.memory_space<vmem>> -> memref<128x64xf32, #tpu.memory_space<vmem>>
    %dma_wait3A_198 = arith.constant 0 : i32
    %dma_wait3A_199 = tpu.memref_slice %arg5[%dma_wait3A_188, %dma_wait3A_198] : memref<200x128xi32, #tpu.memory_space<vmem>> -> memref<1x128xi32, #tpu.memory_space<vmem>>
    %dma_wait3A_200 = tpu.memref_squeeze %dma_wait3A_199 : memref<1x128xi32, #tpu.memory_space<vmem>> -> memref<128xi32, #tpu.memory_space<vmem>>
    %dma_wait3A_201 = arith.constant 0 : i32
    %dma_wait3A_202 = arith.constant 0 : i32
    %dma_wait3A_203 = tpu.memref_slice %arg3[%dma_wait3A_201, %dma_wait3A_202] : memref<1000000x64xf32, #tpu.memory_space<hbm>> -> memref<1000000x64xf32, #tpu.memory_space<hbm>>
    %dma_wait3A_204 = tpu.memref_slice %arg7[%dma_wait3A_190] : memref<2x!tpu.dma_semaphore, #tpu.memory_space<semaphore_mem>> -> memref<1x!tpu.dma_semaphore, #tpu.memory_space<semaphore_mem>>
    %dma_wait3A_205 = tpu.memref_squeeze %dma_wait3A_204 : memref<1x!tpu.dma_semaphore, #tpu.memory_space<semaphore_mem>> -> memref<!tpu.dma_semaphore, #tpu.memory_space<semaphore_mem>>
    tpu.wait_indirect_dma semaphore(%dma_wait3A_205 : memref<!tpu.dma_semaphore, #tpu.memory_space<semaphore_mem>>) src(%dma_wait3A_203 : memref<1000000x64xf32, #tpu.memory_space<hbm>>) dst(%dma_wait3A_197 : memref<128x64xf32, #tpu.memory_space<vmem>>)
    %dma_wait3A_206 = arith.constant 0 : i32
    %dma_wait3A_207 = arith.constant 0 : i32
    %dma_wait3A_208 = arith.constant 0 : i32
    %dma_wait3A_209 = arith.constant 0 : i32
    %dma_wait3A_210 = arith.constant 0 : i32
    %dma_wait3A_211 = tpu.memref_slice %arg6[%dma_wait3A_207, %dma_wait3A_209, %dma_wait3A_210] : memref<2x512x64xf32, #tpu.memory_space<vmem>> -> memref<1x512x64xf32, #tpu.memory_space<vmem>>
    %dma_wait3A_212 = tpu.memref_squeeze %dma_wait3A_211 : memref<1x512x64xf32, #tpu.memory_space<vmem>> -> memref<512x64xf32, #tpu.memory_space<vmem>>
    %dma_wait3A_213 = arith.constant 0 : i32
    %dma_wait3A_214 = arith.constant 0 : i32
    %dma_wait3A_215 = tpu.memref_slice %dma_wait3A_212[%dma_wait3A_213, %dma_wait3A_214] : memref<512x64xf32, #tpu.memory_space<vmem>> -> memref<128x64xf32, #tpu.memory_space<vmem>>
    %dma_wait3A_216 = arith.constant 0 : i32
    %dma_wait3A_217 = tpu.memref_slice %arg5[%dma_wait3A_206, %dma_wait3A_216] : memref<200x128xi32, #tpu.memory_space<vmem>> -> memref<1x128xi32, #tpu.memory_space<vmem>>
    %dma_wait3A_218 = tpu.memref_squeeze %dma_wait3A_217 : memref<1x128xi32, #tpu.memory_space<vmem>> -> memref<128xi32, #tpu.memory_space<vmem>>
    %dma_wait3A_219 = arith.constant 0 : i32
    %dma_wait3A_220 = arith.constant 0 : i32
    %dma_wait3A_221 = tpu.memref_slice %arg3[%dma_wait3A_219, %dma_wait3A_220] : memref<1000000x64xf32, #tpu.memory_space<hbm>> -> memref<1000000x64xf32, #tpu.memory_space<hbm>>
    %dma_wait3A_222 = tpu.memref_slice %arg7[%dma_wait3A_208] : memref<2x!tpu.dma_semaphore, #tpu.memory_space<semaphore_mem>> -> memref<1x!tpu.dma_semaphore, #tpu.memory_space<semaphore_mem>>
    %dma_wait3A_223 = tpu.memref_squeeze %dma_wait3A_222 : memref<1x!tpu.dma_semaphore, #tpu.memory_space<semaphore_mem>> -> memref<!tpu.dma_semaphore, #tpu.memory_space<semaphore_mem>>
    tpu.wait_indirect_dma semaphore(%dma_wait3A_223 : memref<!tpu.dma_semaphore, #tpu.memory_space<semaphore_mem>>) src(%dma_wait3A_221 : memref<1000000x64xf32, #tpu.memory_space<hbm>>) dst(%dma_wait3A_215 : memref<128x64xf32, #tpu.memory_space<vmem>>)
    %add3A_224 = arith.constant 24576 : i32
    %add3A_225 = arith.addi %mul3A_2, %add3A_224 : i32
    %multiple_of3A = tpu.assume_multiple %add3A_225, 512 : i32
    %dma_start3A_226 = arith.constant 0 : i32
    %dma_start3A_227 = arith.constant 0 : i32
    %dma_start3A_228 = arith.constant 0 : i32
    %dma_start3A_229 = arith.constant 0 : i32
    %dma_start3A_230 = tpu.memref_slice %arg6[%dma_start3A_226, %dma_start3A_228, %dma_start3A_229] : memref<2x512x64xf32, #tpu.memory_space<vmem>> -> memref<1x512x64xf32, #tpu.memory_space<vmem>>
    %dma_start3A_231 = tpu.memref_squeeze %dma_start3A_230 : memref<1x512x64xf32, #tpu.memory_space<vmem>> -> memref<512x64xf32, #tpu.memory_space<vmem>>
    %dma_start3A_232 = arith.constant 0 : i32
    %dma_start3A_233 = tpu.memref_slice %arg4[%multiple_of3A, %dma_start3A_232] : memref<819200x64xf32, #tpu.memory_space<hbm>> -> memref<512x64xf32, #tpu.memory_space<hbm>>
    %dma_start3A_234 = tpu.memref_slice %arg8[%dma_start3A_227] : memref<2x!tpu.dma_semaphore, #tpu.memory_space<semaphore_mem>> -> memref<1x!tpu.dma_semaphore, #tpu.memory_space<semaphore_mem>>
    %dma_start3A_235 = tpu.memref_squeeze %dma_start3A_234 : memref<1x!tpu.dma_semaphore, #tpu.memory_space<semaphore_mem>> -> memref<!tpu.dma_semaphore, #tpu.memory_space<semaphore_mem>>
    %dma_start3A_236 = arith.constant 0 : i32
    %dma_start3A_237 = tpu.memref_slice %arg4[%multiple_of3A, %dma_start3A_236] : memref<819200x64xf32, #tpu.memory_space<hbm>> -> memref<512x64xf32, #tpu.memory_space<hbm>>
    %dma_start3A_238 = arith.constant 0 : i32
    %dma_start3A_239 = arith.constant 0 : i32
    %dma_start3A_240 = tpu.memref_slice %arg6[%dma_start3A_226, %dma_start3A_238, %dma_start3A_239] : memref<2x512x64xf32, #tpu.memory_space<vmem>> -> memref<1x512x64xf32, #tpu.memory_space<vmem>>
    %dma_start3A_241 = tpu.memref_squeeze %dma_start3A_240 : memref<1x512x64xf32, #tpu.memory_space<vmem>> -> memref<512x64xf32, #tpu.memory_space<vmem>>
    tpu.enqueue_dma source(%dma_start3A_241 : memref<512x64xf32, #tpu.memory_space<vmem>>) target(%dma_start3A_237 : memref<512x64xf32, #tpu.memory_space<hbm>>) target_semaphore(%dma_start3A_235 : memref<!tpu.dma_semaphore, #tpu.memory_space<semaphore_mem>>)
    %dma_wait3A_242 = arith.constant 0 : i32
    %dma_wait3A_243 = arith.constant 1 : i32
    %dma_wait3A_244 = arith.constant 1 : i32
    %dma_wait3A_245 = arith.constant 0 : i32
    %dma_wait3A_246 = arith.constant 0 : i32
    %dma_wait3A_247 = tpu.memref_slice %arg6[%dma_wait3A_243, %dma_wait3A_245, %dma_wait3A_246] : memref<2x512x64xf32, #tpu.memory_space<vmem>> -> memref<1x512x64xf32, #tpu.memory_space<vmem>>
    %dma_wait3A_248 = tpu.memref_squeeze %dma_wait3A_247 : memref<1x512x64xf32, #tpu.memory_space<vmem>> -> memref<512x64xf32, #tpu.memory_space<vmem>>
    %dma_wait3A_249 = arith.constant 0 : i32
    %dma_wait3A_250 = arith.constant 0 : i32
    %dma_wait3A_251 = tpu.memref_slice %dma_wait3A_248[%dma_wait3A_249, %dma_wait3A_250] : memref<512x64xf32, #tpu.memory_space<vmem>> -> memref<128x64xf32, #tpu.memory_space<vmem>>
    %dma_wait3A_252 = arith.constant 0 : i32
    %dma_wait3A_253 = tpu.memref_slice %arg5[%dma_wait3A_242, %dma_wait3A_252] : memref<200x128xi32, #tpu.memory_space<vmem>> -> memref<1x128xi32, #tpu.memory_space<vmem>>
    %dma_wait3A_254 = tpu.memref_squeeze %dma_wait3A_253 : memref<1x128xi32, #tpu.memory_space<vmem>> -> memref<128xi32, #tpu.memory_space<vmem>>
    %dma_wait3A_255 = arith.constant 0 : i32
    %dma_wait3A_256 = arith.constant 0 : i32
    %dma_wait3A_257 = tpu.memref_slice %arg3[%dma_wait3A_255, %dma_wait3A_256] : memref<1000000x64xf32, #tpu.memory_space<hbm>> -> memref<1000000x64xf32, #tpu.memory_space<hbm>>
    %dma_wait3A_258 = tpu.memref_slice %arg7[%dma_wait3A_244] : memref<2x!tpu.dma_semaphore, #tpu.memory_space<semaphore_mem>> -> memref<1x!tpu.dma_semaphore, #tpu.memory_space<semaphore_mem>>
    %dma_wait3A_259 = tpu.memref_squeeze %dma_wait3A_258 : memref<1x!tpu.dma_semaphore, #tpu.memory_space<semaphore_mem>> -> memref<!tpu.dma_semaphore, #tpu.memory_space<semaphore_mem>>
    tpu.wait_indirect_dma semaphore(%dma_wait3A_259 : memref<!tpu.dma_semaphore, #tpu.memory_space<semaphore_mem>>) src(%dma_wait3A_257 : memref<1000000x64xf32, #tpu.memory_space<hbm>>) dst(%dma_wait3A_251 : memref<128x64xf32, #tpu.memory_space<vmem>>)
    %dma_wait3A_260 = arith.constant 0 : i32
    %dma_wait3A_261 = arith.constant 1 : i32
    %dma_wait3A_262 = arith.constant 1 : i32
    %dma_wait3A_263 = arith.constant 0 : i32
    %dma_wait3A_264 = arith.constant 0 : i32
    %dma_wait3A_265 = tpu.memref_slice %arg6[%dma_wait3A_261, %dma_wait3A_263, %dma_wait3A_264] : memref<2x512x64xf32, #tpu.memory_space<vmem>> -> memref<1x512x64xf32, #tpu.memory_space<vmem>>
    %dma_wait3A_266 = tpu.memref_squeeze %dma_wait3A_265 : memref<1x512x64xf32, #tpu.memory_space<vmem>> -> memref<512x64xf32, #tpu.memory_space<vmem>>
    %dma_wait3A_267 = arith.constant 0 : i32
    %dma_wait3A_268 = arith.constant 0 : i32
    %dma_wait3A_269 = tpu.memref_slice %dma_wait3A_266[%dma_wait3A_267, %dma_wait3A_268] : memref<512x64xf32, #tpu.memory_space<vmem>> -> memref<128x64xf32, #tpu.memory_space<vmem>>
    %dma_wait3A_270 = arith.constant 0 : i32
    %dma_wait3A_271 = tpu.memref_slice %arg5[%dma_wait3A_260, %dma_wait3A_270] : memref<200x128xi32, #tpu.memory_space<vmem>> -> memref<1x128xi32, #tpu.memory_space<vmem>>
    %dma_wait3A_272 = tpu.memref_squeeze %dma_wait3A_271 : memref<1x128xi32, #tpu.memory_space<vmem>> -> memref<128xi32, #tpu.memory_space<vmem>>
    %dma_wait3A_273 = arith.constant 0 : i32
    %dma_wait3A_274 = arith.constant 0 : i32
    %dma_wait3A_275 = tpu.memref_slice %arg3[%dma_wait3A_273, %dma_wait3A_274] : memref<1000000x64xf32, #tpu.memory_space<hbm>> -> memref<1000000x64xf32, #tpu.memory_space<hbm>>
    %dma_wait3A_276 = tpu.memref_slice %arg7[%dma_wait3A_262] : memref<2x!tpu.dma_semaphore, #tpu.memory_space<semaphore_mem>> -> memref<1x!tpu.dma_semaphore, #tpu.memory_space<semaphore_mem>>
    %dma_wait3A_277 = tpu.memref_squeeze %dma_wait3A_276 : memref<1x!tpu.dma_semaphore, #tpu.memory_space<semaphore_mem>> -> memref<!tpu.dma_semaphore, #tpu.memory_space<semaphore_mem>>
    tpu.wait_indirect_dma semaphore(%dma_wait3A_277 : memref<!tpu.dma_semaphore, #tpu.memory_space<semaphore_mem>>) src(%dma_wait3A_275 : memref<1000000x64xf32, #tpu.memory_space<hbm>>) dst(%dma_wait3A_269 : memref<128x64xf32, #tpu.memory_space<vmem>>)
    %dma_wait3A_278 = arith.constant 0 : i32
    %dma_wait3A_279 = arith.constant 1 : i32
    %dma_wait3A_280 = arith.constant 1 : i32
    %dma_wait3A_281 = arith.constant 0 : i32
    %dma_wait3A_282 = arith.constant 0 : i32
    %dma_wait3A_283 = tpu.memref_slice %arg6[%dma_wait3A_279, %dma_wait3A_281, %dma_wait3A_282] : memref<2x512x64xf32, #tpu.memory_space<vmem>> -> memref<1x512x64xf32, #tpu.memory_space<vmem>>
    %dma_wait3A_284 = tpu.memref_squeeze %dma_wait3A_283 : memref<1x512x64xf32, #tpu.memory_space<vmem>> -> memref<512x64xf32, #tpu.memory_space<vmem>>
    %dma_wait3A_285 = arith.constant 0 : i32
    %dma_wait3A_286 = arith.constant 0 : i32
    %dma_wait3A_287 = tpu.memref_slice %dma_wait3A_284[%dma_wait3A_285, %dma_wait3A_286] : memref<512x64xf32, #tpu.memory_space<vmem>> -> memref<128x64xf32, #tpu.memory_space<vmem>>
    %dma_wait3A_288 = arith.constant 0 : i32
    %dma_wait3A_289 = tpu.memref_slice %arg5[%dma_wait3A_278, %dma_wait3A_288] : memref<200x128xi32, #tpu.memory_space<vmem>> -> memref<1x128xi32, #tpu.memory_space<vmem>>
    %dma_wait3A_290 = tpu.memref_squeeze %dma_wait3A_289 : memref<1x128xi32, #tpu.memory_space<vmem>> -> memref<128xi32, #tpu.memory_space<vmem>>
    %dma_wait3A_291 = arith.constant 0 : i32
    %dma_wait3A_292 = arith.constant 0 : i32
    %dma_wait3A_293 = tpu.memref_slice %arg3[%dma_wait3A_291, %dma_wait3A_292] : memref<1000000x64xf32, #tpu.memory_space<hbm>> -> memref<1000000x64xf32, #tpu.memory_space<hbm>>
    %dma_wait3A_294 = tpu.memref_slice %arg7[%dma_wait3A_280] : memref<2x!tpu.dma_semaphore, #tpu.memory_space<semaphore_mem>> -> memref<1x!tpu.dma_semaphore, #tpu.memory_space<semaphore_mem>>
    %dma_wait3A_295 = tpu.memref_squeeze %dma_wait3A_294 : memref<1x!tpu.dma_semaphore, #tpu.memory_space<semaphore_mem>> -> memref<!tpu.dma_semaphore, #tpu.memory_space<semaphore_mem>>
    tpu.wait_indirect_dma semaphore(%dma_wait3A_295 : memref<!tpu.dma_semaphore, #tpu.memory_space<semaphore_mem>>) src(%dma_wait3A_293 : memref<1000000x64xf32, #tpu.memory_space<hbm>>) dst(%dma_wait3A_287 : memref<128x64xf32, #tpu.memory_space<vmem>>)
    %dma_wait3A_296 = arith.constant 0 : i32
    %dma_wait3A_297 = arith.constant 1 : i32
    %dma_wait3A_298 = arith.constant 1 : i32
    %dma_wait3A_299 = arith.constant 0 : i32
    %dma_wait3A_300 = arith.constant 0 : i32
    %dma_wait3A_301 = tpu.memref_slice %arg6[%dma_wait3A_297, %dma_wait3A_299, %dma_wait3A_300] : memref<2x512x64xf32, #tpu.memory_space<vmem>> -> memref<1x512x64xf32, #tpu.memory_space<vmem>>
    %dma_wait3A_302 = tpu.memref_squeeze %dma_wait3A_301 : memref<1x512x64xf32, #tpu.memory_space<vmem>> -> memref<512x64xf32, #tpu.memory_space<vmem>>
    %dma_wait3A_303 = arith.constant 0 : i32
    %dma_wait3A_304 = arith.constant 0 : i32
    %dma_wait3A_305 = tpu.memref_slice %dma_wait3A_302[%dma_wait3A_303, %dma_wait3A_304] : memref<512x64xf32, #tpu.memory_space<vmem>> -> memref<128x64xf32, #tpu.memory_space<vmem>>
    %dma_wait3A_306 = arith.constant 0 : i32
    %dma_wait3A_307 = tpu.memref_slice %arg5[%dma_wait3A_296, %dma_wait3A_306] : memref<200x128xi32, #tpu.memory_space<vmem>> -> memref<1x128xi32, #tpu.memory_space<vmem>>
    %dma_wait3A_308 = tpu.memref_squeeze %dma_wait3A_307 : memref<1x128xi32, #tpu.memory_space<vmem>> -> memref<128xi32, #tpu.memory_space<vmem>>
    %dma_wait3A_309 = arith.constant 0 : i32
    %dma_wait3A_310 = arith.constant 0 : i32
    %dma_wait3A_311 = tpu.memref_slice %arg3[%dma_wait3A_309, %dma_wait3A_310] : memref<1000000x64xf32, #tpu.memory_space<hbm>> -> memref<1000000x64xf32, #tpu.memory_space<hbm>>
    %dma_wait3A_312 = tpu.memref_slice %arg7[%dma_wait3A_298] : memref<2x!tpu.dma_semaphore, #tpu.memory_space<semaphore_mem>> -> memref<1x!tpu.dma_semaphore, #tpu.memory_space<semaphore_mem>>
    %dma_wait3A_313 = tpu.memref_squeeze %dma_wait3A_312 : memref<1x!tpu.dma_semaphore, #tpu.memory_space<semaphore_mem>> -> memref<!tpu.dma_semaphore, #tpu.memory_space<semaphore_mem>>
    tpu.wait_indirect_dma semaphore(%dma_wait3A_313 : memref<!tpu.dma_semaphore, #tpu.memory_space<semaphore_mem>>) src(%dma_wait3A_311 : memref<1000000x64xf32, #tpu.memory_space<hbm>>) dst(%dma_wait3A_305 : memref<128x64xf32, #tpu.memory_space<vmem>>)
    %add3A_314 = arith.constant 25088 : i32
    %add3A_315 = arith.addi %mul3A_2, %add3A_314 : i32
    %multiple_of3A_316 = tpu.assume_multiple %add3A_315, 512 : i32
    %dma_start3A_317 = arith.constant 1 : i32
    %dma_start3A_318 = arith.constant 1 : i32
    %dma_start3A_319 = arith.constant 0 : i32
    %dma_start3A_320 = arith.constant 0 : i32
    %dma_start3A_321 = tpu.memref_slice %arg6[%dma_start3A_317, %dma_start3A_319, %dma_start3A_320] : memref<2x512x64xf32, #tpu.memory_space<vmem>> -> memref<1x512x64xf32, #tpu.memory_space<vmem>>
    %dma_start3A_322 = tpu.memref_squeeze %dma_start3A_321 : memref<1x512x64xf32, #tpu.memory_space<vmem>> -> memref<512x64xf32, #tpu.memory_space<vmem>>
    %dma_start3A_323 = arith.constant 0 : i32
    %dma_start3A_324 = tpu.memref_slice %arg4[%multiple_of3A_316, %dma_start3A_323] : memref<819200x64xf32, #tpu.memory_space<hbm>> -> memref<512x64xf32, #tpu.memory_space<hbm>>
    %dma_start3A_325 = tpu.memref_slice %arg8[%dma_start3A_318] : memref<2x!tpu.dma_semaphore, #tpu.memory_space<semaphore_mem>> -> memref<1x!tpu.dma_semaphore, #tpu.memory_space<semaphore_mem>>
    %dma_start3A_326 = tpu.memref_squeeze %dma_start3A_325 : memref<1x!tpu.dma_semaphore, #tpu.memory_space<semaphore_mem>> -> memref<!tpu.dma_semaphore, #tpu.memory_space<semaphore_mem>>
    %dma_start3A_327 = arith.constant 0 : i32
    %dma_start3A_328 = tpu.memref_slice %arg4[%multiple_of3A_316, %dma_start3A_327] : memref<819200x64xf32, #tpu.memory_space<hbm>> -> memref<512x64xf32, #tpu.memory_space<hbm>>
    %dma_start3A_329 = arith.constant 0 : i32
    %dma_start3A_330 = arith.constant 0 : i32
    %dma_start3A_331 = tpu.memref_slice %arg6[%dma_start3A_317, %dma_start3A_329, %dma_start3A_330] : memref<2x512x64xf32, #tpu.memory_space<vmem>> -> memref<1x512x64xf32, #tpu.memory_space<vmem>>
    %dma_start3A_332 = tpu.memref_squeeze %dma_start3A_331 : memref<1x512x64xf32, #tpu.memory_space<vmem>> -> memref<512x64xf32, #tpu.memory_space<vmem>>
    tpu.enqueue_dma source(%dma_start3A_332 : memref<512x64xf32, #tpu.memory_space<vmem>>) target(%dma_start3A_328 : memref<512x64xf32, #tpu.memory_space<hbm>>) target_semaphore(%dma_start3A_326 : memref<!tpu.dma_semaphore, #tpu.memory_space<semaphore_mem>>)
    %dma_wait3A_333 = arith.constant 0 : i32
    %dma_wait3A_334 = arith.constant 0 : i32
    %dma_wait3A_335 = arith.constant 0 : i32
    %dma_wait3A_336 = arith.constant 0 : i32
    %dma_wait3A_337 = tpu.memref_slice %arg6[%dma_wait3A_333, %dma_wait3A_335, %dma_wait3A_336] : memref<2x512x64xf32, #tpu.memory_space<vmem>> -> memref<1x512x64xf32, #tpu.memory_space<vmem>>
    %dma_wait3A_338 = tpu.memref_squeeze %dma_wait3A_337 : memref<1x512x64xf32, #tpu.memory_space<vmem>> -> memref<512x64xf32, #tpu.memory_space<vmem>>
    %dma_wait3A_339 = arith.constant 0 : i32
    %dma_wait3A_340 = arith.constant 0 : i32
    %dma_wait3A_341 = tpu.memref_slice %arg4[%dma_wait3A_339, %dma_wait3A_340] : memref<819200x64xf32, #tpu.memory_space<hbm>> -> memref<512x64xf32, #tpu.memory_space<hbm>>
    %dma_wait3A_342 = tpu.memref_slice %arg8[%dma_wait3A_334] : memref<2x!tpu.dma_semaphore, #tpu.memory_space<semaphore_mem>> -> memref<1x!tpu.dma_semaphore, #tpu.memory_space<semaphore_mem>>
    %dma_wait3A_343 = tpu.memref_squeeze %dma_wait3A_342 : memref<1x!tpu.dma_semaphore, #tpu.memory_space<semaphore_mem>> -> memref<!tpu.dma_semaphore, #tpu.memory_space<semaphore_mem>>
    %dma_wait3A_344 = arith.constant 0 : i32
    %dma_wait3A_345 = arith.constant 0 : i32
    %dma_wait3A_346 = tpu.memref_slice %arg4[%dma_wait3A_344, %dma_wait3A_345] : memref<819200x64xf32, #tpu.memory_space<hbm>> -> memref<512x64xf32, #tpu.memory_space<hbm>>
    %dma_wait3A_347 = arith.constant 0 : i32
    %dma_wait3A_348 = arith.constant 0 : i32
    %dma_wait3A_349 = tpu.memref_slice %arg6[%dma_wait3A_333, %dma_wait3A_347, %dma_wait3A_348] : memref<2x512x64xf32, #tpu.memory_space<vmem>> -> memref<1x512x64xf32, #tpu.memory_space<vmem>>
    %dma_wait3A_350 = tpu.memref_squeeze %dma_wait3A_349 : memref<1x512x64xf32, #tpu.memory_space<vmem>> -> memref<512x64xf32, #tpu.memory_space<vmem>>
    tpu.wait_dma2 semaphore(%dma_wait3A_343 : memref<!tpu.dma_semaphore, #tpu.memory_space<semaphore_mem>>) src(%dma_wait3A_350 : memref<512x64xf32, #tpu.memory_space<vmem>>) dst(%dma_wait3A_346 : memref<512x64xf32, #tpu.memory_space<hbm>>)
    %dma_wait3A_351 = arith.constant 1 : i32
    %dma_wait3A_352 = arith.constant 1 : i32
    %dma_wait3A_353 = arith.constant 0 : i32
    %dma_wait3A_354 = arith.constant 0 : i32
    %dma_wait3A_355 = tpu.memref_slice %arg6[%dma_wait3A_351, %dma_wait3A_353, %dma_wait3A_354] : memref<2x512x64xf32, #tpu.memory_space<vmem>> -> memref<1x512x64xf32, #tpu.memory_space<vmem>>
    %dma_wait3A_356 = tpu.memref_squeeze %dma_wait3A_355 : memref<1x512x64xf32, #tpu.memory_space<vmem>> -> memref<512x64xf32, #tpu.memory_space<vmem>>
    %dma_wait3A_357 = arith.constant 0 : i32
    %dma_wait3A_358 = arith.constant 0 : i32
    %dma_wait3A_359 = tpu.memref_slice %arg4[%dma_wait3A_357, %dma_wait3A_358] : memref<819200x64xf32, #tpu.memory_space<hbm>> -> memref<512x64xf32, #tpu.memory_space<hbm>>
    %dma_wait3A_360 = tpu.memref_slice %arg8[%dma_wait3A_352] : memref<2x!tpu.dma_semaphore, #tpu.memory_space<semaphore_mem>> -> memref<1x!tpu.dma_semaphore, #tpu.memory_space<semaphore_mem>>
    %dma_wait3A_361 = tpu.memref_squeeze %dma_wait3A_360 : memref<1x!tpu.dma_semaphore, #tpu.memory_space<semaphore_mem>> -> memref<!tpu.dma_semaphore, #tpu.memory_space<semaphore_mem>>
    %dma_wait3A_362 = arith.constant 0 : i32
    %dma_wait3A_363 = arith.constant 0 : i32
    %dma_wait3A_364 = tpu.memref_slice %arg4[%dma_wait3A_362, %dma_wait3A_363] : memref<819200x64xf32, #tpu.memory_space<hbm>> -> memref<512x64xf32, #tpu.memory_space<hbm>>
    %dma_wait3A_365 = arith.constant 0 : i32
    %dma_wait3A_366 = arith.constant 0 : i32
    %dma_wait3A_367 = tpu.memref_slice %arg6[%dma_wait3A_351, %dma_wait3A_365, %dma_wait3A_366] : memref<2x512x64xf32, #tpu.memory_space<vmem>> -> memref<1x512x64xf32, #tpu.memory_space<vmem>>
    %dma_wait3A_368 = tpu.memref_squeeze %dma_wait3A_367 : memref<1x512x64xf32, #tpu.memory_space<vmem>> -> memref<512x64xf32, #tpu.memory_space<vmem>>
    tpu.wait_dma2 semaphore(%dma_wait3A_361 : memref<!tpu.dma_semaphore, #tpu.memory_space<semaphore_mem>>) src(%dma_wait3A_368 : memref<512x64xf32, #tpu.memory_space<vmem>>) dst(%dma_wait3A_364 : memref<512x64xf32, #tpu.memory_space<hbm>>)
    return
  }
}

</mosaic_0001>

<sc_bundles>
// kernel: kernel.3.cloned.1.call-start
scs
__scs_entry_jumppad:
0x0: {  	(pc) =	sbr.rel $0x88, $3  }
0x1: {  	(tag) =	ssettag $0x0;
	lr =	simm.s32 $0x1  }
0x2: {  	[smem:$0x3F9F] =	sst lr;
	_ =	strace $0xD0000000  }
0x3: {  	_ = 	snop  }
0x4: {  	_ = 	snop  }
0x5: {  	_ = 	snop  }
0x6: {  	_ = 	snop  }
0x7: {  	_ = 	snop  }
__scs_overlays_trampoline_lowered:
0x8: {  	[smem:$0x3FAE] =	sst s0  }
0x9: {  	[smem:$0x3FAF] =	sst s1  }
0xa: {  	[smem:$0x3FB0] =	sst s2  }
0xb: {  	[smem:$0x3FB1] =	sst s3  }
0xc: {  	[smem:$0x3FB2] =	sst s4  }
0xd: {  	[smem:$0x3FB3] =	sst s5  }
0xe: {  	[smem:$0x3FB4] =	sst s6  }
0xf: {  	[smem:$0x3FB5] =	sst s7  }
0x10: {  	[smem:$0x3FB6] =	sst s8  }
0x11: {  	[smem:$0x3FB7] =	sst s9;
	s0 =	simm.s32 @!p0 $0x0  }
0x12: {  	s1 =	sld [smem:$0x3F9D];
	s0 =	simm.s32 @p0 $0x1  }
0x13: {  	[smem:$0x3FB8] =	sst s0;
	s0 =	simm.s32 @!p1 $0x0  }
0x14: {  	s2 =	sld [smem:$0x3F9C];
	s0 =	simm.s32 @p1 $0x1  }
0x15: {  	[smem:$0x3FB9] =	sst s0;
	s0 =	simm.s32 @!p2 $0x0  }
0x16: {  	s3 =	sld [smem:$0x3FDB];
	s0 =	simm.s32 @p2 $0x1  }
0x17: {  	s4 =	simm.s32 $0x1BF5;
	[smem:$0x3FBB] =	sst s0  }
0x18: {  	s0 =	sld [smem:$0x3F9E];
	_ =	swait.ge [sflag:s4], $0x0  }
0x19: {  	s7 =	sld [smem:$0x3F9F]  }
0x1a: {  	s8 =	sadd.s32 $0xFFFFE003, lr  }
0x1b: {  	s9 =	sadd.s32 $0xFFFFFEF7, lr;
	s5 =	simm.s32 $0xFFFFFFFF;
	p2 =	slt.u32 s8, $0xFFFFF086  }
0x1c: {  	p1 =	slt.u32 s9, $0xF7A;
	s5 =	simm.s32 @!p2 $0x0  }
0x1d: {  	s5 =	simm.s32 @p1 $0x1;
	p0 =	seq.s32 s7, s2  }
0x1e: {  	s7 =	smul.u32 @!p0 $0xF7A, s2;
	p2 =	seq.s32 @!p0 s5, $0x0  }
0x1f: {  	s9 =	smul.u32 $0xF7A, s1;
	s8 =	simm.s32 @!p0 $0x1BF5;
	p2 =	por !p2, p0  }
0x20: {  	[sflag:s8] =	ssyncset.s32 @!p0 $0xFFFFF086;
	s6 =	sadd.s32 @!p0 s3, s7;
	s7 =	simm.s32 @!p0 $0x108  }
0x21: {  	s3 =	sadd.s32 s3, s9;
	s6 =	sadd.s32 @!p0 $0x88, s6;
	s7 =	simm.s32 @p2 $0x1082  }
0x22: {  	[simem:s7], [sflag:s8] =	dma.local @!p0 [hbm:s6], $0xF7A  }
0x23: {  	s9 =	sor.u32 $0xD0000000, s2;
	s6 =	simm.s32 $0x108;
	_ =	swait.ge @!p0 [sflag:s8], $0x0  }
0x24: {  	s3 =	sadd.s32 $0x88, s3;
	s6 =	simm.s32 @!p1 $0x1082;
	[sflag:s4] =	ssyncset.s32 $0xFFFFF086  }
0x25: {  	[simem:s6], [sflag:s4] =	dma.local [hbm:s3], $0xF7A  }
0x26: {  	[smem:$0x3F9F] =	sst s1;
	(tag) =	ssettag s2;
	_ =	strace s9  }
0x27: {  	s1 =	sld [smem:$0x3FAF]  }
0x28: {  	s2 =	sld [smem:$0x3FB0]  }
0x29: {  	s4 =	sld [smem:$0x3FB2]  }
0x2a: {  	p0 =	seq.s32 s5, $0x0;
	s5 =	sld [smem:$0x3FB3]  }
0x2b: {  	s6 =	sld [smem:$0x3FB4]  }
0x2c: {  	s7 =	sld [smem:$0x3FB5]  }
0x2d: {  	s3 =	simm.s32 $0x108;
	s8 =	sld [smem:$0x3FB6]  }
0x2e: {  	s3 =	simm.s32 @!p0 $0x1082;
	s9 =	sld [smem:$0x3FB7]  }
0x2f: {  	lr =	sadd.s32 s0, s3;
	s0 =	sld [smem:$0x3FAE]  }
0x30: {  	s3 =	sld [smem:$0x3FB1]  }
0x31: {  	[smem:$0x3FBA] =	sst s10  }
0x32: {  	s10 =	sld [smem:$0x3FB8];
	_ =	sdelay $0x3  }
0x33: {  	p0 =	seq.s32 s10, $0x1;
	s10 =	sld [smem:$0x3FBA];
	_ =	sdelay $0x3  }
0x34: {  	[smem:$0x3FBA] =	sst s10  }
0x35: {  	s10 =	sld [smem:$0x3FB9];
	_ =	sdelay $0x3  }
0x36: {  	p1 =	seq.s32 s10, $0x1;
	s10 =	sld [smem:$0x3FBA];
	_ =	sdelay $0x3  }
0x37: {  	[smem:$0x3FBA] =	sst s10  }
0x38: {  	s10 =	sld [smem:$0x3FBB]  }
0x39: {  	_ = 	snop;
	(pc) =	sbr.ind lr, $3  }
0x3a: {  	_ = 	snop  }
0x3b: {  	_ = 	snop  }
0x3c: {  	p2 =	seq.s32 s10, $0x1;
	s10 =	sld [smem:$0x3FBA]  }
0x3d: {  	_ =	shalt  }
0x3e: {  	_ =	shalt  }
0x3f: {  	_ =	shalt  }
0x40: {  	_ =	shalt  }
0x41: {  	_ =	shalt  }
0x42: {  	_ =	shalt  }
0x43: {  	_ =	shalt  }
0x44: {  	_ =	shalt  }
0x45: {  	_ =	shalt  }
0x46: {  	_ =	shalt  }
0x47: {  	_ =	shalt  }
0x48: {  	_ =	shalt  }
0x49: {  	_ =	shalt  }
0x4a: {  	_ =	shalt  }
0x4b: {  	_ =	shalt  }
0x4c: {  	_ =	shalt  }
0x4d: {  	_ =	shalt  }
0x4e: {  	_ =	shalt  }
0x4f: {  	_ =	shalt  }
0x50: {  	_ =	shalt  }
0x51: {  	_ =	shalt  }
0x52: {  	_ =	shalt  }
0x53: {  	_ =	shalt  }
0x54: {  	_ =	shalt  }
0x55: {  	_ =	shalt  }
0x56: {  	_ =	shalt  }
0x57: {  	_ =	shalt  }
0x58: {  	_ =	shalt  }
0x59: {  	_ =	shalt  }
0x5a: {  	_ =	shalt  }
0x5b: {  	_ =	shalt  }
0x5c: {  	_ =	shalt  }
0x5d: {  	_ =	shalt  }
0x5e: {  	_ =	shalt  }
0x5f: {  	_ =	shalt  }
0x60: {  	_ =	shalt  }
0x61: {  	_ =	shalt  }
0x62: {  	_ =	shalt  }
0x63: {  	_ =	shalt  }
0x64: {  	_ =	shalt  }
0x65: {  	_ =	shalt  }
0x66: {  	_ =	shalt  }
0x67: {  	_ =	shalt  }
0x68: {  	_ =	shalt  }
0x69: {  	_ =	shalt  }
0x6a: {  	_ =	shalt  }
0x6b: {  	_ =	shalt  }
0x6c: {  	_ =	shalt  }
0x6d: {  	_ =	shalt  }
0x6e: {  	_ =	shalt  }
0x6f: {  	_ =	shalt  }
0x70: {  	_ =	shalt  }
0x71: {  	_ =	shalt  }
0x72: {  	_ =	shalt  }
0x73: {  	_ =	shalt  }
0x74: {  	_ =	shalt  }
0x75: {  	_ =	shalt  }
0x76: {  	_ =	shalt  }
0x77: {  	_ =	shalt  }
0x78: {  	_ =	shalt  }
0x79: {  	_ =	shalt  }
0x7a: {  	_ =	shalt  }
0x7b: {  	_ =	shalt  }
0x7c: {  	_ =	shalt  }
0x7d: {  	_ =	shalt  }
0x7e: {  	_ =	shalt  }
0x7f: {  	_ =	shalt  }
0x80: {  	_ =	shalt  }
0x81: {  	_ =	shalt  }
0x82: {  	_ =	shalt  }
0x83: {  	_ =	shalt  }
0x84: {  	_ =	shalt  }
0x85: {  	_ =	shalt  }
0x86: {  	_ =	shalt  }
0x87: {  	_ =	shalt  }
.Lfunc_end0:
.L_simem_size_0:
called_computation.1_lowered:
.L_overlay_start_0:
0x88: {  	s2 =	sld [smem:$0x3FD9]  }
0x89: {  	s3 =	sld [smem:$0x3FFE];
	_ =	sdelay $0x1  }
0x8a: {  	s1 =	srdreg.scid  }
0x8b: {  	s0 =	sand.u32 $0x1, s1  }
0x8c: {  	s17 =	sshll.u32 s0, $0xA;
	s2 =	sadd.s32 s3, s2  }
0x8d: {  	s2 =	sadd.s32 s2, s17  }
0x8e: {  	[smem:$0x3FC6] =	sst s2  }
0x8f: {  	_ = 	snop  }
0x90: {  	s2 =	sld [smem:$0x3FD0];
	(tm) =	ssettm $0x1  }
0x91: {  	s18 =	sld [smem:$0x3FFB];
	_ =	sdelay $0x3  }
0x92: {  	_ =	strace s18  }
0x93: {  	s3 =	sld [smem:$0x3FFC];
	_ =	sdelay $0x3  }
0x94: {  	_ =	strace s3  }
0x95: {  	s3 =	sld [smem:$0x3FFD];
	_ =	sdelay $0x3  }
0x96: {  	_ =	strace s3  }
0x97: {  	_ =	strace $0x8FFFFFFF  }
0x98: {  	s19 =	sld [smem:$0x3FDB];
	_ =	sdelay $0x1  }
0x99: {  	s4 =	simm.s32 $_scs_section_size  }
0x9a: {  	s5 =	simm.s32 $_size__tile_overlayer_lowered;
	s6 =	simm.s32 $_tile_overlayer_lowered  }
0x9b: {  	s22 =	simm.s32 $0x1BFF;
	s21 =	sshll.u32 s6, $0x1;
	s3 =	sadd.s32 s4, s19  }
0x9c: {  	s7 =	simm.s32 $0x0;
	s20 =	sshll.u32 s5, $0x1;
	s5 =	sadd.s32 s21, s3  }
0x9d: {  	[timem:s7], [sflag:s22] =	dma.local [hbm:s5], s20  }
0x9e: {  	_ =	swait.ge [sflag:s22], s20  }
0x9f: {  	s4 =	ssub.s32 $0x0, s20;
	[sflag:s22] =	ssyncset.done $0x0  }
0xa0: {  	[sflag:s22] =	ssyncadd.s32 s4;
	_ =	sdelay $0x1  }
0xa1: {  	s23 =	simm.s32 $0x1B8B  }
0xa2: {  	_ =	swait.ge [sflag:s23], $0x1  }
0xa3: {  	[sflag:s23] =	ssyncset.done $0x0  }
0xa4: {  	s25 =	simm.s32 $0x1B8E;
	s24 =	sld [smem:$0x3FFE];
	[sflag:s23] =	ssyncadd.s32 $0xFFFFFFFF  }
0xa5: {  	s26 =	simm.s32 $execute0_lowered;
	[smem:$0x3FD2] =	sst s25  }
0xa6: {  	s5 =	sshll.u32 s26, $0x1;
	_ =	strace $0x80000046;
	[dreg:$0x1] =	wrdreg $0xFFFFFFFF  }
0xa7: {  	s28 =	simm.s32 $_size_execute0_lowered;
	s3 =	sadd.s32 s3, s5;
	[dreg:$0x0] =	wrdreg $0x0  }
0xa8: {  	s5 =	sshll.u32 s28, $0x1;
	[dreg:$0x2] =	wrdreg s3  }
0xa9: {  	[dreg:$0x3] =	wrdreg s5  }
0xaa: {  	[dreg:$0x4] =	wrdreg $0xC0  }
0xab: {  	_ =	task [dreg:s7], $0x5FFFF  }
0xac: {  	[dreg:$0x1] =	wrdreg $0xFFFFFFFF  }
0xad: {  	[dreg:$0x0] =	wrdreg $0x60  }
0xae: {  	[dreg:$0x2] =	wrdreg s24  }
0xaf: {  	[dreg:$0x3] =	wrdreg s2  }
0xb0: {  	[dreg:$0x4] =	wrdreg $0x9  }
0xb1: {  	_ =	task.clear_ibuf [dreg:s7], $0x5FFFF;
	_ =	strace $0x90000046  }
0xb2: {  	s29 =	simm.s32 $0x9;
	_ =	strace $0x80000048  }
0xb3: {  	_ =	swait.ge [sflag:s29], $0x1  }
0xb4: {  	[sflag:s29] =	ssyncadd.s32 $0xFFFFFFFF  }
0xb5: {  	_ =	strace $0x90000048  }
0xb6: {  	_ =	sfence  }
0xb7: {  	s30 =	sld [smem:$0x0];
	_ =	sdelay $0x2  }
0xb8: {  	s31 =	sshll.u32 s1, $0xD;
	s1 =	sshrl.u32 s1, $0x2  }
0xb9: {  	s3 =	sand.u32 $0x4000, s31;
	s1 =	sadd.s32 s1, s30  }
0xba: {  	s0 =	sor.u32 s3, s0;
	s1 =	sshll.u32 s1, $0x11  }
0xbb: {  	s0 =	sor.u32 s1, s0  }
0xbc: {  	s0 =	sadd.s32 $0x8F2B, s0  }
0xbd: {  	[sflag:s0] =	ssyncadd.remote.s32 $0x1  }
0xbe: {  	_ =	sfence.sel $0xFFFF  }
0xbf: {  	[dreg:$0x0] =	wrdreg $0xFFFFFFFF;
	(pc) =	sbr.abs _section_cstart, $3  }
0xc0: {  	[dreg:$0x1] =	wrdreg $0xFFFFFFFF  }
0xc1: {  	_ =	task.clear_ibuf [dreg:s7], $0x2FFFF;
	_ =	strace $0x9FFFFFFF  }
0xc2: {  	(tm) =	ssettm $0x7FFFFFFF  }
0xc3: {  	_ =	shalt  }
tec
execute0_lowered:
.L_overlay_start_1:
0x0: {  	(tag) =	ssettag $0x1  }
0x1: {  	s0 =	rddreg [dreg:$0x0]  }
0x2: {  	s1 =	srdreg.scid;
	s8 =	stileid.u32  }
0x3: {  	s9 =	rddreg [dreg:$0x1];
	s2 =	simm.s32 $0x0;
	s11 =	simm.s32 $0x80  }
0x4: {  	s12 =	simm.s32 $0x6400;
	s13 =	simm.s32 $0x8400;
	s15 =	simm.s32 $0xA400  }
0x5: {  	s17 =	simm.s32 $0xC400;
	s19 =	simm.s32 $0xE400;
	s20 =	simm.s32 $0x280  }
0x6: {  	s21 =	simm.s32 $0x10400;
	s22 =	simm.s32 $0x300;
	s23 =	simm.s32 $0x12400  }
0x7: {  	s28 =	simm.s32 $0x3;
	s29 =	simm.s32 $0x2;
	s7 =	smul.u32 $0x64000, s8  }
0x8: {  	s1 =	sand.u32 $0x1, s1;
	s3 =	sshll.u32 s8, $0x1;
	s8 =	smul.u32 $0x320000, s8  }
0x9: {  	s30 =	simm.s32 $0x4;
	[smem:$0x7FF] =	sst s2;
	s25 =	smul.u32 $0x190000, s1  }
0xa: {  	s3 =	sor.u32 s1, s3;
	s6 =	ssub.s32 $0x2, s1;
	s1 =	smul.u32 $0x32000, s1  }
0xb: {  	s31 =	simm.s32 $0x0;
	_ =	strace $0x80000047;
	s4 =	smul.u32 $0xC80, s3  }
0xc: {  	s5 =	smul.u32 $0x190000, s3;
	s3 =	sadd.s32 $0xF42E00, s0;
	s7 =	sadd.s32 s7, s9  }
0xd: {  	s24 =	sshrl.u32 s6, $0x1;
	s8 =	sadd.s32 s25, s8;
	s1 =	sadd.s32 s1, s7  }
0xe: {  	s25 =	simm.s32 $0x14400;
	s4 =	sadd.s32 s4, s0;
	s0 =	ssub.s32 s6, s24  }
0xf: {  	s5 =	sshrl.u32 s5, $0x3;
	s26 =	sshrl.u32 s8, $0x3;
	s8 =	sadd.s32 $0x1000, s1  }
0x10: {  	s24 =	simm.s32 $0x380;
	s4 =	sadd.s32 $0xA00, s4;
	s10 =	sadd.s32 s9, s5  }
0x11: {  	s7 =	smax.u32 s0, $0x1;
	s9 =	sadd.s32 s26, s9;
	s26 =	simm.s32 $0x1  }
0x12: {  	s5 =	sadd.s32 $0x30000, s10;
	s6 =	sadd.s32 $0x31000, s10;
	s10 =	simm.s32 $0x5  }
.LBB2_1:
0x13: {  	[tilespmem:s2], [sflag:$0x5] =	stream.linear.gather [hbm4b:s4+s2], $0x6400, $0x38;
	[tilespmem:$0x16400] =	vst v63  }
0x14: {  	_ =	swait.ge [sflag:s10], $0x6400  }
0x15: {  	[sflag:s10] =	ssyncset.done $0x0  }
0x16: {  	[sflag:s10] =	ssyncadd.s32 $0xFFFF9C00  }
0x17: {  	[tilespmem:s12], [sflag:$0x1] =	stream.indirect.gather [hbm4b:s3+s11], $0x40, s2, s11, $0xb8;
	[tilespmem:$0x16400] =	vst v63  }
0x18: {  	_ = 	snop  }
0x19: {  	[tilespmem:s13], [sflag:$0x1] =	stream.indirect.gather [hbm4b:s3+s11], $0x40, s11, s11, $0xb8;
	[tilespmem:$0x16400] =	vst v63  }
0x1a: {  	s0 =	simm.s32 $0x100  }
0x1b: {  	[tilespmem:s15], [sflag:$0x1] =	stream.indirect.gather [hbm4b:s3+s11], $0x40, s0, s11, $0xb8;
	[tilespmem:$0x16400] =	vst v63  }
0x1c: {  	s18 =	simm.s32 $0x180  }
0x1d: {  	[tilespmem:s17], [sflag:$0x1] =	stream.indirect.gather [hbm4b:s3+s11], $0x40, s18, s11, $0xb8;
	[tilespmem:$0x16400] =	vst v63  }
0x1e: {  	s1 =	simm.s32 $0x200  }
0x1f: {  	[tilespmem:s19], [sflag:$0x2] =	stream.indirect.gather [hbm4b:s3+s11], $0x40, s1, s11, $0xb8;
	[tilespmem:$0x16400] =	vst v63  }
0x20: {  	_ = 	snop  }
0x21: {  	[tilespmem:s21], [sflag:$0x2] =	stream.indirect.gather [hbm4b:s3+s11], $0x40, s20, s11, $0xb8;
	[tilespmem:$0x16400] =	vst v63  }
0x22: {  	_ = 	snop  }
0x23: {  	[tilespmem:s23], [sflag:$0x2] =	stream.indirect.gather [hbm4b:s3+s11], $0x40, s22, s11, $0xb8;
	[tilespmem:$0x16400] =	vst v63  }
0x24: {  	_ = 	snop  }
0x25: {  	[tilespmem:s25], [sflag:$0x2] =	stream.indirect.gather [hbm4b:s3+s11], $0x40, s24, s11, $0xb8;
	[tilespmem:$0x16400] =	vst v63  }
0x26: {  	_ =	swait.ge [sflag:s26], $0x2000  }
0x27: {  	[sflag:s26] =	ssyncset.done $0x0  }
0x28: {  	[sflag:s26] =	ssyncadd.s32 $0xFFFFE000  }
0x29: {  	_ =	swait.ge [sflag:s26], $0x2000  }
0x2a: {  	[sflag:s26] =	ssyncset.done $0x0  }
0x2b: {  	[sflag:s26] =	ssyncadd.s32 $0xFFFFE000  }
0x2c: {  	_ =	swait.ge [sflag:s26], $0x2000  }
0x2d: {  	[sflag:s26] =	ssyncset.done $0x0  }
0x2e: {  	[sflag:s26] =	ssyncadd.s32 $0xFFFFE000  }
0x2f: {  	_ =	swait.ge [sflag:s26], $0x2000  }
0x30: {  	[sflag:s26] =	ssyncset.done $0x0  }
0x31: {  	[sflag:s26] =	ssyncadd.s32 $0xFFFFE000  }
0x32: {  	[hbm4b:s9+s2] =	stream.linear.scatter [tilespmem:s12], [sflag:$0x3], $0x8000, $0x38;
	[tilespmem:$0x16400] =	vst v63  }
0x33: {  	_ =	swait.ge [sflag:s28], $0x8000  }
0x34: {  	[sflag:s28] =	ssyncset.done $0x0  }
0x35: {  	s14 =	simm.s32 $0x400;
	[sflag:s28] =	ssyncadd.s32 $0xFFFF8000  }
0x36: {  	[tilespmem:s12], [sflag:$0x1] =	stream.indirect.gather [hbm4b:s3+s11], $0x40, s14, s11, $0xb8;
	[tilespmem:$0x16400] =	vst v63  }
0x37: {  	s16 =	simm.s32 $0x480  }
0x38: {  	[tilespmem:s13], [sflag:$0x1] =	stream.indirect.gather [hbm4b:s3+s11], $0x40, s16, s11, $0xb8;
	[tilespmem:$0x16400] =	vst v63  }
0x39: {  	s18 =	simm.s32 $0x500  }
0x3a: {  	[tilespmem:s15], [sflag:$0x1] =	stream.indirect.gather [hbm4b:s3+s11], $0x40, s18, s11, $0xb8;
	[tilespmem:$0x16400] =	vst v63  }
0x3b: {  	s1 =	simm.s32 $0x580  }
0x3c: {  	[tilespmem:s17], [sflag:$0x1] =	stream.indirect.gather [hbm4b:s3+s11], $0x40, s1, s11, $0xb8;
	[tilespmem:$0x16400] =	vst v63  }
0x3d: {  	_ =	swait.ge [sflag:s29], $0x2000  }
0x3e: {  	[sflag:s29] =	ssyncset.done $0x0  }
0x3f: {  	[sflag:s29] =	ssyncadd.s32 $0xFFFFE000  }
0x40: {  	_ =	swait.ge [sflag:s29], $0x2000  }
0x41: {  	[sflag:s29] =	ssyncset.done $0x0  }
0x42: {  	[sflag:s29] =	ssyncadd.s32 $0xFFFFE000  }
0x43: {  	_ =	swait.ge [sflag:s29], $0x2000  }
0x44: {  	[sflag:s29] =	ssyncset.done $0x0  }
0x45: {  	[sflag:s29] =	ssyncadd.s32 $0xFFFFE000  }
0x46: {  	_ =	swait.ge [sflag:s29], $0x2000  }
0x47: {  	[sflag:s29] =	ssyncset.done $0x0  }
0x48: {  	[sflag:s29] =	ssyncadd.s32 $0xFFFFE000  }
0x49: {  	[hbm4b:s8+s2] =	stream.linear.scatter [tilespmem:s19], [sflag:$0x4], $0x8000, $0x38;
	[tilespmem:$0x16400] =	vst v63  }
0x4a: {  	_ =	swait.ge [sflag:s30], $0x8000  }
0x4b: {  	[sflag:s30] =	ssyncset.done $0x0  }
0x4c: {  	s14 =	simm.s32 $0x600;
	[sflag:s30] =	ssyncadd.s32 $0xFFFF8000  }
0x4d: {  	[tilespmem:s19], [sflag:$0x2] =	stream.indirect.gather [hbm4b:s3+s11], $0x40, s14, s11, $0xb8;
	[tilespmem:$0x16400] =	vst v63  }
0x4e: {  	s0 =	sadd.s32 $0x2000, s8;
	s16 =	simm.s32 $0x680;
	s18 =	simm.s32 $0x700  }
0x4f: {  	[tilespmem:s21], [sflag:$0x2] =	stream.indirect.gather [hbm4b:s3+s11], $0x40, s16, s11, $0xb8;
	[tilespmem:$0x16400] =	vst v63  }
0x50: {  	s1 =	simm.s32 $0x1000;
	s14 =	sadd.s32 $0x2000, s9;
	s16 =	simm.s32 $0x780  }
0x51: {  	[tilespmem:s23], [sflag:$0x2] =	stream.indirect.gather [hbm4b:s3+s11], $0x40, s18, s11, $0xb8;
	[tilespmem:$0x16400] =	vst v63  }
.LBB2_2:
0x52: {  	[tilespmem:s25], [sflag:$0x2] =	stream.indirect.gather [hbm4b:s3+s11], $0x40, s16, s11, $0xb8;
	[tilespmem:$0x16400] =	vst v63  }
0x53: {  	s16 =	smov.u32 s1  }
0x54: {  	p0 =	sne.s32 s1, $0x17000;
	s1 =	sadd.s32 $0x1000, s1;
	_ =	swait.ge [sflag:s26], $0x2000  }
0x55: {  	[sflag:s26] =	ssyncset.done $0x0  }
0x56: {  	[sflag:s26] =	ssyncadd.s32 $0xFFFFE000  }
0x57: {  	_ =	swait.ge [sflag:s26], $0x2000  }
0x58: {  	[sflag:s26] =	ssyncset.done $0x0  }
0x59: {  	[sflag:s26] =	ssyncadd.s32 $0xFFFFE000  }
0x5a: {  	_ =	swait.ge [sflag:s26], $0x2000  }
0x5b: {  	[sflag:s26] =	ssyncset.done $0x0  }
0x5c: {  	[sflag:s26] =	ssyncadd.s32 $0xFFFFE000  }
0x5d: {  	_ =	swait.ge [sflag:s26], $0x2000  }
0x5e: {  	[sflag:s26] =	ssyncset.done $0x0  }
0x5f: {  	[sflag:s26] =	ssyncadd.s32 $0xFFFFE000  }
0x60: {  	[hbm4b:s14+s2] =	stream.linear.scatter [tilespmem:s12], [sflag:$0x3], $0x8000, $0x38;
	[tilespmem:$0x16400] =	vst v63  }
0x61: {  	_ =	swait.ge [sflag:s28], $0x8000  }
0x62: {  	s16 =	sshra.s32 s16, $0x2;
	[sflag:s28] =	ssyncset.done $0x0  }
0x63: {  	s18 =	sadd.s32 $0x400, s16;
	[sflag:s28] =	ssyncadd.s32 $0xFFFF8000  }
0x64: {  	[tilespmem:s12], [sflag:$0x1] =	stream.indirect.gather [hbm4b:s3+s11], $0x40, s18, s11, $0xb8;
	[tilespmem:$0x16400] =	vst v63  }
0x65: {  	s18 =	sadd.s32 $0x480, s16  }
0x66: {  	[tilespmem:s13], [sflag:$0x1] =	stream.indirect.gather [hbm4b:s3+s11], $0x40, s18, s11, $0xb8;
	[tilespmem:$0x16400] =	vst v63  }
0x67: {  	s18 =	sadd.s32 $0x500, s16  }
0x68: {  	[tilespmem:s15], [sflag:$0x1] =	stream.indirect.gather [hbm4b:s3+s11], $0x40, s18, s11, $0xb8;
	[tilespmem:$0x16400] =	vst v63  }
0x69: {  	s18 =	sadd.s32 $0x580, s16  }
0x6a: {  	[tilespmem:s17], [sflag:$0x1] =	stream.indirect.gather [hbm4b:s3+s11], $0x40, s18, s11, $0xb8;
	[tilespmem:$0x16400] =	vst v63  }
0x6b: {  	_ =	swait.ge [sflag:s29], $0x2000  }
0x6c: {  	[sflag:s29] =	ssyncset.done $0x0  }
0x6d: {  	[sflag:s29] =	ssyncadd.s32 $0xFFFFE000  }
0x6e: {  	_ =	swait.ge [sflag:s29], $0x2000  }
0x6f: {  	[sflag:s29] =	ssyncset.done $0x0  }
0x70: {  	[sflag:s29] =	ssyncadd.s32 $0xFFFFE000  }
0x71: {  	_ =	swait.ge [sflag:s29], $0x2000  }
0x72: {  	[sflag:s29] =	ssyncset.done $0x0  }
0x73: {  	[sflag:s29] =	ssyncadd.s32 $0xFFFFE000  }
0x74: {  	_ =	swait.ge [sflag:s29], $0x2000  }
0x75: {  	[sflag:s29] =	ssyncset.done $0x0  }
0x76: {  	[sflag:s29] =	ssyncadd.s32 $0xFFFFE000  }
0x77: {  	[hbm4b:s0+s2] =	stream.linear.scatter [tilespmem:s19], [sflag:$0x4], $0x8000, $0x38;
	[tilespmem:$0x16400] =	vst v63  }
0x78: {  	_ =	swait.ge [sflag:s30], $0x8000  }
0x79: {  	[sflag:s30] =	ssyncset.done $0x0  }
0x7a: {  	s18 =	sadd.s32 $0x600, s16;
	[sflag:s30] =	ssyncadd.s32 $0xFFFF8000  }
0x7b: {  	[tilespmem:s19], [sflag:$0x2] =	stream.indirect.gather [hbm4b:s3+s11], $0x40, s18, s11, $0xb8;
	[tilespmem:$0x16400] =	vst v63  }
.Ltmp0:
0x7c: {  	s18 =	sadd.s32 $0x680, s16;
	(pc) =	sbr.rel @p0 .LBB2_2-.Ltmp0, $4  }
0x7d: {  	[tilespmem:s21], [sflag:$0x2] =	stream.indirect.gather [hbm4b:s3+s11], $0x40, s18, s11, $0xb8;
	[tilespmem:$0x16400] =	vst v63  }
0x7e: {  	s18 =	sadd.s32 $0x700, s16  }
0x7f: {  	[tilespmem:s23], [sflag:$0x2] =	stream.indirect.gather [hbm4b:s3+s11], $0x40, s18, s11, $0xb8;
	[tilespmem:$0x16400] =	vst v63  }
0x80: {  	s14 =	sadd.s32 $0x2000, s14;
	s0 =	sadd.s32 $0x2000, s0;
	s16 =	sadd.s32 $0x780, s16  }
0x81: {  	[tilespmem:s25], [sflag:$0x2] =	stream.indirect.gather [hbm4b:s3+s11], $0x40, s16, s11, $0xb8;
	[tilespmem:$0x16400] =	vst v63  }
0x82: {  	_ =	swait.ge [sflag:s26], $0x2000  }
0x83: {  	[sflag:s26] =	ssyncset.done $0x0  }
0x84: {  	[sflag:s26] =	ssyncadd.s32 $0xFFFFE000  }
0x85: {  	_ =	swait.ge [sflag:s26], $0x2000  }
0x86: {  	[sflag:s26] =	ssyncset.done $0x0  }
0x87: {  	[sflag:s26] =	ssyncadd.s32 $0xFFFFE000  }
0x88: {  	_ =	swait.ge [sflag:s26], $0x2000  }
0x89: {  	[sflag:s26] =	ssyncset.done $0x0  }
0x8a: {  	[sflag:s26] =	ssyncadd.s32 $0xFFFFE000  }
0x8b: {  	_ =	swait.ge [sflag:s26], $0x2000  }
0x8c: {  	[sflag:s26] =	ssyncset.done $0x0  }
0x8d: {  	[sflag:s26] =	ssyncadd.s32 $0xFFFFE000  }
0x8e: {  	[hbm4b:s5+s2] =	stream.linear.scatter [tilespmem:s12], [sflag:$0x3], $0x8000, $0x38;
	[tilespmem:$0x16400] =	vst v63  }
0x8f: {  	_ =	swait.ge [sflag:s29], $0x2000  }
0x90: {  	[sflag:s29] =	ssyncset.done $0x0  }
0x91: {  	[sflag:s29] =	ssyncadd.s32 $0xFFFFE000  }
0x92: {  	_ =	swait.ge [sflag:s29], $0x2000  }
0x93: {  	[sflag:s29] =	ssyncset.done $0x0  }
0x94: {  	[sflag:s29] =	ssyncadd.s32 $0xFFFFE000  }
0x95: {  	_ =	swait.ge [sflag:s29], $0x2000  }
0x96: {  	[sflag:s29] =	ssyncset.done $0x0  }
0x97: {  	[sflag:s29] =	ssyncadd.s32 $0xFFFFE000  }
0x98: {  	_ =	swait.ge [sflag:s29], $0x2000  }
0x99: {  	[sflag:s29] =	ssyncset.done $0x0  }
0x9a: {  	s31 =	sadd.s32 $0x1, s31;
	[sflag:s29] =	ssyncadd.s32 $0xFFFFE000  }
0x9b: {  	[hbm4b:s6+s2] =	stream.linear.scatter [tilespmem:s19], [sflag:$0x4], $0x8000, $0x38;
	[tilespmem:$0x16400] =	vst v63  }
0x9c: {  	p0 =	sne.s32 s31, s7;
	_ =	swait.ge [sflag:s28], $0x8000  }
.Ltmp1:
0x9d: {  	[sflag:s28] =	ssyncset.done $0x0;
	(pc) =	sbr.rel @p0 .LBB2_1-.Ltmp1, $4  }
0x9e: {  	[sflag:s28] =	ssyncadd.s32 $0xFFFF8000  }
0x9f: {  	_ =	swait.ge [sflag:s30], $0x8000  }
0xa0: {  	[sflag:s30] =	ssyncset.done $0x0  }
0xa1: {  	[sflag:s30] =	ssyncadd.s32 $0xFFFF8000  }
0xa2: {  	_ =	sfence.sel $0x180000  }
0xa3: {  	[bflag:$0x0] =	sbarrier.arrive $0xFFFF  }
0xa4: {  	_ =	strace $0x90000047  }
0xa5: {  	s0 =	stileid.u32;
	[bflag:$0x2] =	sbarrier.arrive $0xFFFF  }
0xa6: {  	p0 =	sne.s32 s0, $0x0;
	s0 =	rddreg [dreg:$0x2]  }
0xa7: {  	s0 =	sadd.s32 @!p0 $0x100000, s0  }
0xa8: {  	[sflag:s0] =	ssyncadd.tile.s32 @!p0 $0x1;
	_ =	shalt  }
.Lfunc_end2:
_tile_overlayer_lowered:
.L_overlay_start_2:
0xa9: {  	(tag) =	ssettag $0x2  }
0xaa: {  	s0 =	rddreg [dreg:$0x0];
	s2 =	stileid.u32  }
0xab: {  	s1 =	rddreg [dreg:$0x1];
	p0 =	sne.s32 s2, $0x0  }
0xac: {  	s3 =	rddreg [dreg:$0x2];
	[bflag:$0x3] =	sbarrier.arrive $0xFFFF;
	s2 =	simm.s32 @!p0 $0x1C05  }
0xad: {  	[timem:s3], [sflag:s2] =	dma.local @!p0 [hbm:s0], s1  }
0xae: {  	s0 =	simm.s32 @!p0 $0x5  }
0xaf: {  	_ =	swait.ge @!p0 [sflag:s0], s1  }
0xb0: {  	s1 =	ssub.s32 @!p0 $0x0, s1;
	[sflag:s0] =	ssyncset.done @!p0 $0x0  }
0xb1: {  	[sflag:s0] =	ssyncadd.s32 @!p0 s1  }
0xb2: {  	[bflag:$0x3] =	sbarrier.arrive $0xFFFF  }
0xb3: {  	_ =	shalt  }

// kernel: sparse-core-data-format-call.cloned.1.call-start
scs
called_computation_lowered:
.L_overlay_start_0:
0x0: {  	s2 =	sld [smem:$0x3FD9]  }
0x1: {  	s3 =	sld [smem:$0x3FFE];
	_ =	sdelay $0x1  }
0x2: {  	s1 =	srdreg.scid  }
0x3: {  	s0 =	sand.u32 $0x1, s1  }
0x4: {  	s18 =	sshll.u32 s0, $0xA;
	s2 =	sadd.s32 s3, s2  }
0x5: {  	s2 =	sadd.s32 s2, s18  }
0x6: {  	[smem:$0x3FC6] =	sst s2  }
0x7: {  	_ = 	snop  }
0x8: {  	s2 =	sld [smem:$0x3FD0];
	(tm) =	ssettm $0x1  }
0x9: {  	s19 =	sld [smem:$0x3FFB];
	_ =	sdelay $0x3  }
0xa: {  	_ =	strace s19  }
0xb: {  	s3 =	sld [smem:$0x3FFC];
	_ =	sdelay $0x3  }
0xc: {  	_ =	strace s3  }
0xd: {  	s3 =	sld [smem:$0x3FFD];
	_ =	sdelay $0x3  }
0xe: {  	_ =	strace s3  }
0xf: {  	_ =	strace $0x8FFFFFFF  }
0x10: {  	s20 =	sld [smem:$0x3FDB];
	_ =	sdelay $0x1  }
0x11: {  	s4 =	simm.s32 $_scs_section_size  }
0x12: {  	s5 =	simm.s32 $_size__tile_overlayer_lowered;
	s6 =	simm.s32 $_tile_overlayer_lowered  }
0x13: {  	s23 =	simm.s32 $0x1BFF;
	s22 =	sshll.u32 s6, $0x1;
	s3 =	sadd.s32 s4, s20  }
0x14: {  	s7 =	simm.s32 $0x0;
	s21 =	sshll.u32 s5, $0x1;
	s5 =	sadd.s32 s22, s3  }
0x15: {  	[timem:s7], [sflag:s23] =	dma.local [hbm:s5], s21  }
0x16: {  	_ =	swait.ge [sflag:s23], s21  }
0x17: {  	s4 =	ssub.s32 $0x0, s21;
	[sflag:s23] =	ssyncset.done $0x0  }
0x18: {  	[sflag:s23] =	ssyncadd.s32 s4;
	_ =	sdelay $0x1  }
0x19: {  	s24 =	simm.s32 $0x1B8B  }
0x1a: {  	_ =	swait.ge [sflag:s24], $0x1  }
0x1b: {  	[sflag:s24] =	ssyncset.done $0x0  }
0x1c: {  	s26 =	simm.s32 $0x1B8E;
	s25 =	sld [smem:$0x3FFE];
	[sflag:s24] =	ssyncadd.s32 $0xFFFFFFFF  }
0x1d: {  	s27 =	simm.s32 $execute0_lowered;
	[smem:$0x3FD2] =	sst s26  }
0x1e: {  	s5 =	sshll.u32 s27, $0x1;
	_ =	strace $0x80000049;
	[dreg:$0x1] =	wrdreg $0xFFFFFFFF  }
0x1f: {  	s28 =	simm.s32 $_size_execute0_lowered;
	s3 =	sadd.s32 s3, s5;
	[dreg:$0x0] =	wrdreg $0x0  }
0x20: {  	s5 =	sshll.u32 s28, $0x1;
	[dreg:$0x2] =	wrdreg s3  }
0x21: {  	[dreg:$0x3] =	wrdreg s5  }
0x22: {  	[dreg:$0x4] =	wrdreg $0xC0  }
0x23: {  	_ =	task [dreg:s7], $0x5FFFF  }
0x24: {  	[dreg:$0x1] =	wrdreg $0xFFFFFFFF  }
0x25: {  	[dreg:$0x0] =	wrdreg $0x60  }
0x26: {  	[dreg:$0x2] =	wrdreg s25  }
0x27: {  	[dreg:$0x3] =	wrdreg s2  }
0x28: {  	[dreg:$0x4] =	wrdreg $0x9  }
0x29: {  	_ =	task.clear_ibuf [dreg:s7], $0x5FFFF;
	_ =	strace $0x90000049  }
0x2a: {  	s29 =	simm.s32 $0x9;
	_ =	strace $0x8000004B  }
0x2b: {  	_ =	swait.ge [sflag:s29], $0x1  }
0x2c: {  	[sflag:s29] =	ssyncadd.s32 $0xFFFFFFFF  }
0x2d: {  	_ =	strace $0x9000004B  }
0x2e: {  	_ =	sfence  }
0x2f: {  	s30 =	sld [smem:$0x0];
	_ =	sdelay $0x2  }
0x30: {  	s31 =	sshll.u32 s1, $0xD;
	s1 =	sshrl.u32 s1, $0x2  }
0x31: {  	s3 =	sand.u32 $0x4000, s31;
	s1 =	sadd.s32 s1, s30  }
0x32: {  	s0 =	sor.u32 s3, s0;
	s1 =	sshll.u32 s1, $0x11  }
0x33: {  	s0 =	sor.u32 s1, s0  }
0x34: {  	s0 =	sadd.s32 $0x8F2B, s0  }
0x35: {  	[sflag:s0] =	ssyncadd.remote.s32 $0x1  }
0x36: {  	_ =	sfence.sel $0xFFFF  }
0x37: {  	[dreg:$0x0] =	wrdreg $0xFFFFFFFF;
	(pc) =	sbr.abs _section_cstart, $3  }
0x38: {  	[dreg:$0x1] =	wrdreg $0xFFFFFFFF  }
0x39: {  	_ =	task.clear_ibuf [dreg:s7], $0x2FFFF;
	_ =	strace $0x9FFFFFFF  }
0x3a: {  	(tm) =	ssettm $0x7FFFFFFF  }
0x3b: {  	_ =	shalt  }
tec
execute0_lowered:
.L_overlay_start_1:
0x0: {  	(tag) =	ssettag $0x1  }
0x1: {  	s0 =	srdreg.scid  }
0x2: {  	s1 =	sshll.u32 s0, $0x4  }
0x3: {  	s0 =	stileid.u32;
	s1 =	sand.u32 $0x10, s1  }
0x4: {  	s1 =	sor.u32 s0, s1  }
0x5: {  	s6 =	rddreg [dreg:$0x0];
	s4 =	simm.s32 $0x1;
	s2 =	sshll.u32 s1, $0x7  }
0x6: {  	s7 =	simm.s32 $0x2;
	s12 =	simm.s32 $0x0;
	s1 =	ssub.s32 $0x4000, s2  }
0x7: {  	s8 =	simm.s32 $0x20000;
	s13 =	simm.s32 $0x0;
	s3 =	sand.u32 $0xF80, s1  }
0x8: {  	s9 =	simm.s32 $0x0;
	s5 =	sshrl.u32 s1, $0xC;
	p0 =	sne.s32 s3, $0x0  }
.Ltmp0:
0x9: {  	s1 =	rddreg [dreg:$0x2];
	s4 =	simm.s32 @!p0 $0x0;
	(pc) =	sbr.rel .LBB1_1-.Ltmp0, $4  }
0xa: {  	s11 =	simm.s32 $0x0;
	s3 =	rddreg [dreg:$0x1];
	s5 =	sadd.s32 s4, s5  }
0xb: {  	_ =	strace $0x8000004A;
	s4 =	simm.s32 $0x1;
	s5 =	smul.u32 $0x32, s5  }
0xc: {  	s6 =	sadd.s32 $0xA00, s6;
	s10 =	smov.u32 s2;
	[sflag:s4] =	ssyncpa.u1 $0x0  }
0xd: {  	p0 =	por $0x0, $0x0;
	[sflag:s7] =	ssyncpa.u1 $0x0;
	s7 =	sor.u32 $0x1, s5  }
.LBB1_4:
0xe: {  	s16 =	sshll.u32 s13, $0x3;
	s17 =	sand.u32 $0x78, s13  }
0xf: {  	s30 =	sand.u32 $0x1F800, s13;
	s12 =	sshll.u32 s12, $0x11;
	s16 =	sand.u32 $0x3C00, s16  }
0x10: {  	[tilespmem:s15+$0x810 ss:$0x81] =	vst.msk $0xffff, v2;
	s31 =	sand.u32 $0x7, s13;
	s16 =	sor.u32 s17, s16;
	s17 =	sadd.s32 s3, s30  }
0x11: {  	[tilespmem:s15+$0x1020 ss:$0x81] =	vst.msk $0xffff, v0;
	s13 =	sshll.u32 s31, $0x12;
	s12 =	sadd.s32 s12, s17;
	s16 =	sshrl.u32 s16, $0x3  }
0x12: {  	[tilespmem:s15+$0x0 ss:$0x81] =	vst.msk $0xffff, v1;
	s13 =	sor.u32 $0x400, s13;
	s12 =	sadd.s32 s16, s12  }
0x13: {  	[hbm4b:s12+s13] =	stream.strided.scatter [tilespmem:s14], [sflag:$0x2], $0x2000, s8, s13, $0x20;
	[tilespmem:$0x8080] =	vst v63  }
.LBB1_5:
0x14: {  	s14 =	sadd.s32 $0x1, s9  }
0x15: {  	s12 =	sadd.s32 $0x1000, s10;
	s16 =	smov.u32 s10;
	p2 =	sgt.s32 s14, $0x31  }
0x16: {  	s16 =	smov.u32 @p2 s12  }
0x17: {  	s14 =	simm.s32 @p2 $0x0;
	p2 =	sgt.s32 s16, $0x3FFF  }
0x18: {  	s16 =	smov.u32 @p2 s2;
	p2 =	sne.s32 s11, s7  }
.Ltmp1:
0x19: {  	p1 =	slt.u32 s11, $0x2;
	(pc) =	sbr.rel @!p2 .LBB1_6-.Ltmp1, $4  }
0x1a: {  	s15 =	simm.s32 @!p1 $0x2  }
0x1b: {  	s13 =	smov.u32 s10;
	p0 =	por !p0, !p0;
	_ =	swait.ge @!p1 [sflag:s15], $0x2000  }
0x1c: {  	s12 =	smov.u32 s9;
	[sflag:s15] =	ssyncset.done @!p1 $0x0;
	s9 =	smov.u32 s14  }
0x1d: {  	s11 =	sadd.s32 $0x1, s11;
	[sflag:s15] =	ssyncadd.s32 @!p1 $0xFFFFE000;
	s10 =	smov.u32 s16  }
.LBB1_1:
0x1e: {  	p1 =	sge.u32 s11, s5  }
0x1f: {  	s14 =	sand.u32 @!p1 $0x1FFFFFF, s9  }
0x20: {  	s15 =	smulhi.u32 @!p1 $0x4924925, s14;
	_ =	sdelay $0x1  }
0x21: {  	s15 =	smul.u32 @!p1 $0x38, s15  }
0x22: {  	s16 =	sxor.u32 @!p1 $0xFFFFFFFF, s11;
	s17 =	smul.u32 @!p1 $0x380, s10  }
0x23: {  	s31 =	sadd.s32 $0xFFFFFFFF, s11;
	s16 =	sshll.u32 @!p1 s16, $0xD;
	s14 =	ssub.s32 @!p1 s14, s15  }
0x24: {  	s15 =	sand.u32 @!p1 $0x2000, s16;
	s16 =	sadd.s32 @!p1 s6, s17;
	s14 =	sshll.u32 @!p1 s14, $0x4  }
0x25: {  	s17 =	simm.s32 @!p1 $0x1C00;
	s14 =	sadd.s32 @!p1 s14, s16;
	s16 =	simm.s32 @!p1 $0x40  }
0x26: {  	[tilespmem:s15], [sflag:$0x1] =	stream.strided.gather @!p1 [hbm4b:s14+s16], $0x2000, s17, s16, $0x38;
	[tilespmem:$0x8080] =	vst v63  }
0x27: {  	p1 =	sge.u32 s31, s5  }
.Ltmp2:
0x28: {  	_ = 	snop;
	(pc) =	sbr.rel @p1 .LBB1_5-.Ltmp2, $1  }
0x29: {  	_ =	sdelay $0x3  }
0x2a: {  	s14 =	simm.s32 $0x1  }
0x2b: {  	_ =	swait.ge [sflag:s4], $0x2000;
	s14 =	simm.s32 @!p0 $0x0  }
0x2c: {  	[sflag:s4] =	ssyncset.done $0x0;
	s15 =	sshll.u32 s14, $0xD  }
0x2d: {  	[sflag:s4] =	ssyncadd.s32 $0xFFFFE000;
	s18 =	sor.u32 $0x20, s15  }
0x2e: {  	s14 =	smul.u32 $0x8100, s14;
	v3 =	vld [tilespmem:s18+$0x10]  }
0x2f: {  	s30 =	sand.u32 $0x1, s11;
	v2 =	vld [tilespmem:s18+$0xFFFFFFF0]  }
0x30: {  	s15 =	smul.u32 $0x8100, s30;
	s14 =	sshrl.u32 s14, $0x2;
	v0 =	vld [tilespmem:s18+$0x0]  }
0x31: {  	v1 =	vld [tilespmem:s18+$0xFFFFFFE0];
	s16 =	sor.u32 $0x4000, s14  }
0x32: {  	s31 =	sshrl.u32 s15, $0x2;
	s15 =	sadd.s32 $0x0, s16  }
0x33: {  	s17 =	simm.s32 $0x4;
	s18 =	sadd.s32 $0x40, s18;
	s14 =	sor.u32 $0x4000, s31;
	[tilespmem:s15+$0x1830 ss:$0x81] =	vst.msk $0xffff, v3  }
.LBB1_3:
0x34: {  	v3 =	vld [tilespmem:s18+$0x10];
	p1 =	sne.s32 s17, $0x1FC;
	[tilespmem:s15+$0x810 ss:$0x81] =	vst.msk $0xffff, v2;
	s19 =	smov.u32 s17;
	s17 =	sadd.s32 $0x4, s17  }
.Ltmp3:
0x35: {  	v2 =	vld [tilespmem:s18+$0xFFFFFFF0];
	[tilespmem:s15+$0x1020 ss:$0x81] =	vst.msk $0xffff, v0;
	(pc) =	sbr.rel @p1 .LBB1_3-.Ltmp3, $4  }
0x36: {  	v0 =	vld [tilespmem:s18+$0x0];
	[tilespmem:s15+$0x0 ss:$0x81] =	vst.msk $0xffff, v1  }
0x37: {  	s15 =	sshra.s32 s19, $0x2;
	v1 =	vld [tilespmem:s18+$0xFFFFFFE0]  }
0x38: {  	s15 =	sadd.s32 s15, s16  }
0x39: {  	s18 =	sadd.s32 $0x40, s18;
	[tilespmem:s15+$0x1830 ss:$0x81] =	vst.msk $0xffff, v3  }
.Ltmp4:
0x3a: {  	_ = 	snop;
	(pc) =	sbr.rel .LBB1_4-.Ltmp4, $1  }
0x3b: {  	_ =	sdelay $0x3  }
.LBB1_6:
0x3c: {  	_ =	sfence.sel $0x180000  }
0x3d: {  	s2 =	simm.s32 $0x1;
	[bflag:$0x0] =	sbarrier.arrive $0xFFFF  }
0x3e: {  	s31 =	simm.s32 $0x2;
	[sflag:s2] =	ssyncpa.u1 $0x1  }
0x3f: {  	[sflag:s31] =	ssyncpa.u1 $0x1  }
0x40: {  	p0 =	sne.s32 s0, $0x0;
	_ =	strace $0x9000004A  }
0x41: {  	s0 =	sadd.s32 @!p0 $0x100000, s1;
	[bflag:$0x2] =	sbarrier.arrive $0xFFFF  }
0x42: {  	[sflag:s0] =	ssyncadd.tile.s32 @!p0 $0x1;
	_ =	shalt  }
.Lfunc_end1:
_tile_overlayer_lowered:
.L_overlay_start_2:
0x43: {  	(tag) =	ssettag $0x2  }
0x44: {  	s0 =	rddreg [dreg:$0x0];
	s2 =	stileid.u32  }
0x45: {  	s1 =	rddreg [dreg:$0x1];
	p0 =	sne.s32 s2, $0x0  }
0x46: {  	s3 =	rddreg [dreg:$0x2];
	[bflag:$0x3] =	sbarrier.arrive $0xFFFF;
	s2 =	simm.s32 @!p0 $0x1C01  }
0x47: {  	[timem:s3], [sflag:s2] =	dma.local @!p0 [hbm:s0], s1  }
0x48: {  	s0 =	simm.s32 @!p0 $0x1  }
0x49: {  	_ =	swait.ge @!p0 [sflag:s0], s1  }
0x4a: {  	s1 =	ssub.s32 @!p0 $0x0, s1;
	[sflag:s0] =	ssyncset.done @!p0 $0x0  }
0x4b: {  	[sflag:s0] =	ssyncadd.s32 @!p0 s1  }
0x4c: {  	[bflag:$0x3] =	sbarrier.arrive $0xFFFF  }
0x4d: {  	_ =	shalt  }

</sc_bundles>
